<compile_context>
chip_gen: v7x
topology: tpu7x:2x2x1
jax: 0.10.2.dev20260603
libtpu: 0.0.44.dev20260713+nightly
codegen_flags: <defaults>
</compile_context>

<pallas_src>
import functools

import jax
import jax.numpy as jnp
from jax import lax
from jax.experimental import pallas as pl
from jax.experimental.pallas import tpu as pltpu
from jax.experimental.pallas import tpu_sc as plsc

N = 10000
D = 128
NC = 2
NS = 16
NW = NC * NS
K = 80
N_PAD = 10240
RPT = N_PAD // NS

_mesh = plsc.VectorSubcoreMesh(core_axis_name="c", subcore_axis_name="s")


def _sc_scatter(x, src, dst, zrows, zdeg, ones):
    e = src.shape[0]
    et = e // NW
    nch = et // K
    NL = 4
    nq = (nch - 1) // NL
    rem = nch - nq * NL

    @functools.partial(
        pl.kernel,
        mesh=_mesh,
        out_type=(
            jax.ShapeDtypeStruct((NC, N_PAD, D), jnp.float32),
            jax.ShapeDtypeStruct((NC, N_PAD), jnp.float32),
        ),
        scratch_types=(
            [pltpu.VMEM((K,), jnp.int32) for _ in range(4)]
            + [pltpu.VMEM((K,), jnp.int32) for _ in range(4)]
            + [pltpu.VMEM((K, D), jnp.float32) for _ in range(4)]
            + [
                pltpu.VMEM((K,), jnp.float32),
                pltpu.VMEM_SHARED((N_PAD, D), jnp.float32),
                pltpu.VMEM_SHARED((N_PAD,), jnp.float32),
            ]
            + [pltpu.SemaphoreType.DMA for _ in range(20)]
        ),
    )
    def k(x_h, src_h, dst_h, zr_h, zd_h, ones_h, agg_o, deg_o, *refs):
        sv = refs[0:4]
        dv = refs[4:8]
        rv = refs[8:12]
        onesv, agg_sh, deg_sh = refs[12], refs[13], refs[14]
        semg = refs[15:19]
        sis = refs[19:23]
        sid = refs[23:27]
        sca = refs[27:31]
        scd = refs[31:35]
        c = lax.axis_index("c")
        s = lax.axis_index("s")
        wid = s * NC + c
        base = wid * et

        for l in range(4):
            pltpu.sync_copy(src_h.at[pl.ds(base + l * K, K)], sv[l])
        for l in range(4):
            pltpu.async_copy(x_h.at[sv[l]], rv[l], semg[l])
            pltpu.async_copy(dst_h.at[pl.ds(base + l * K, K)], dv[l], sid[l])

        pltpu.sync_copy(zr_h, agg_sh.at[pl.ds(s * RPT, RPT)])
        pltpu.sync_copy(zd_h, deg_sh.at[pl.ds(s * RPT, RPT)])
        pltpu.sync_copy(ones_h, onesv)
        plsc.subcore_barrier()

        def lane(g, l, refill):
            pltpu.make_async_copy(x_h.at[sv[l]], rv[l], semg[l]).wait()
            if refill:
                pltpu.async_copy(src_h.at[pl.ds(base + (g + 4) * K, K)], sv[l], sis[l])
            pltpu.make_async_copy(dst_h.at[pl.ds(base, K)], dv[l], sid[l]).wait()
            pltpu.async_copy(rv[l], agg_sh.at[dv[l]], sca[l], add=True)
            pltpu.async_copy(onesv, deg_sh.at[dv[l]], scd[l], add=True)
            pltpu.make_async_copy(rv[l], agg_sh.at[dv[l]], sca[l]).wait()
            if refill:
                pltpu.make_async_copy(src_h.at[pl.ds(base, K)], sv[l], sis[l]).wait()
                pltpu.async_copy(x_h.at[sv[l]], rv[l], semg[l])
            pltpu.make_async_copy(onesv, deg_sh.at[dv[l]], scd[l]).wait()
            if refill:
                pltpu.async_copy(dst_h.at[pl.ds(base + (g + 4) * K, K)], dv[l], sid[l])

        def body(q, carry):
            g0 = NL * q
            for l in range(4):
                lane(g0 + l, l, True)
            return carry

        lax.fori_loop(0, nq - 1, body, 0)
        for i in range(NL + rem):
            g = NL * (nq - 1) + i
            lane(g, i % NL, g + NL < nch)
        plsc.subcore_barrier()

        pltpu.sync_copy(agg_sh.at[pl.ds(s * RPT, RPT)], agg_o.at[c, pl.ds(s * RPT, RPT)])
        pltpu.sync_copy(deg_sh.at[pl.ds(s * RPT, RPT)], deg_o.at[c, pl.ds(s * RPT, RPT)])

    return k(x, src, dst, zrows, zdeg, ones)


BT = 2000


def _tc_combine(agg2, deg_t, W2, W3, b3r):
    def body(agg_ref, deg_ref, w2_ref, w3_ref, b3_ref, out_ref):
        w2 = w2_ref[...]
        wc = lax.dot_general(w2, w3_ref[...], (((1,), (0,)), ((), ())),
                             preferred_element_type=jnp.float32)
        bc = lax.dot_general(b3_ref[...], w2, (((1,), (1,)), ((), ())),
                             preferred_element_type=jnp.float32)
        a = agg_ref[0] + agg_ref[1]
        m = lax.dot_general(a, wc, (((1,), (1,)), ((), ())),
                            preferred_element_type=jnp.float32)
        dg = deg_ref[...]
        d = dg[:, 0:1] + dg[:, 1:2]
        out_ref[...] = m + d * bc

    return pl.pallas_call(
        body,
        grid=(N // BT,),
        in_specs=[
            pl.BlockSpec((NC, BT, D), lambda i: (0, i, 0)),
            pl.BlockSpec((BT, NC), lambda i: (i, 0)),
            pl.BlockSpec((D, D), lambda i: (0, 0)),
            pl.BlockSpec((D, D), lambda i: (0, 0)),
            pl.BlockSpec((1, D), lambda i: (0, 0)),
        ],
        out_specs=pl.BlockSpec((BT, D), lambda i: (i, 0)),
        out_shape=jax.ShapeDtypeStruct((N, D), jnp.float32),
    )(agg2, deg_t, W2, W3, b3r)


def kernel(node_features, edge_index, W1, W2, W3, b3):
    ei = edge_index.astype(jnp.int32)
    zrows = jnp.zeros((RPT, D), jnp.float32)
    zdeg = jnp.zeros((RPT,), jnp.float32)
    ones = jnp.ones((K,), jnp.float32)
    agg2, deg2 = _sc_scatter(node_features, ei[0], ei[1], zrows, zdeg, ones)
    return _tc_combine(agg2, deg2.T, W2, W3, b3.reshape(1, D))

# --- scband reference (transcript-rebuilt; emitter-appended) ---
"""Pipeline reference for scband-sageconv-49452253446206 (READ-ONLY COPY).

The authoritative reference and input builder live on the scoring server;
editing this copy changes nothing except your own understanding.
"""

import jax, jax.numpy as jnp
import numpy as np

N = 10000
E = 320000
D_IN = 128
D_OUT = 128

def setup_inputs(seed: int = 0) -> dict:
    key = jax.random.key(seed)
    k1, k2, k3, k4, k5, k6, k7 = jax.random.split(key, 7)
    node_features = jax.random.normal(k1, (N, D_IN), dtype=jnp.float32)
    edge_index = jax.random.randint(k2, (2, E), 0, N, dtype=jnp.int64)
    s = 1.0 / np.sqrt(D_IN)
    W1 = jax.random.uniform(k3, (D_OUT, D_IN), dtype=jnp.float32, minval=-s, maxval=s)
    W2 = jax.random.uniform(k4, (D_OUT, D_IN), dtype=jnp.float32, minval=-s, maxval=s)
    W3 = jax.random.uniform(k5, (D_OUT, D_IN), dtype=jnp.float32, minval=-s, maxval=s)
    b3 = jax.random.uniform(k6, (D_OUT,), dtype=jnp.float32, minval=-s, maxval=s)
    return {"node_features": node_features, "edge_index": edge_index, "W1": W1, "W2": W2, "W3": W3, "b3": b3}

def reference(node_features, edge_index, W1, W2, W3, b3):
    # h = w3(x): Linear with bias
    h = node_features @ W3.T + b3
    # message passing: gather source-node messages, scatter-add to destination nodes
    msgs = jnp.take(h, edge_index[0], axis=0)
    agg = jax.ops.segment_sum(msgs, edge_index[1], num_segments=node_features.shape[0])
    # receiver_features = w2(agg)
    receiver_features = agg @ W2.T
    # node_features = w1(x) + receiver_features (computed but not returned, as in source)
    _node_features = node_features @ W1.T + receiver_features
    return receiver_features

if __name__ == "__main__":
    import jax
    _d = setup_inputs()
    print(jax.jit(kernel)(*tuple(_d.values())))

</pallas_src>

<mosaic_0001>
#map = affine_map<(d0, d1) -> (0, 0)>
#map1 = affine_map<(d0, d1) -> (0)>
#map2 = affine_map<(d0, d1) -> (0, 0, 0)>
module attributes {stable_mosaic.version = 14 : i64} {
  func.func @k(%arg0: i32, %arg1: i32, %arg2: memref<10000x128xf32, #tpu.memory_space<hbm>>, %arg3: memref<320000xi32, #tpu.memory_space<hbm>>, %arg4: memref<320000xi32, #tpu.memory_space<hbm>>, %arg5: memref<640x128xf32, #tpu.memory_space<hbm>>, %arg6: memref<640xf32, #tpu.memory_space<hbm>>, %arg7: memref<80xf32, #tpu.memory_space<hbm>>, %arg8: memref<2x10240x128xf32, #tpu.memory_space<hbm>>, %arg9: memref<2x10240xf32, #tpu.memory_space<hbm>>, %arg10: memref<80xi32, #tpu.memory_space<vmem>>, %arg11: memref<80xi32, #tpu.memory_space<vmem>>, %arg12: memref<80xi32, #tpu.memory_space<vmem>>, %arg13: memref<80xi32, #tpu.memory_space<vmem>>, %arg14: memref<80xi32, #tpu.memory_space<vmem>>, %arg15: memref<80xi32, #tpu.memory_space<vmem>>, %arg16: memref<80xi32, #tpu.memory_space<vmem>>, %arg17: memref<80xi32, #tpu.memory_space<vmem>>, %arg18: memref<80x128xf32, #tpu.memory_space<vmem>>, %arg19: memref<80x128xf32, #tpu.memory_space<vmem>>, %arg20: memref<80x128xf32, #tpu.memory_space<vmem>>, %arg21: memref<80x128xf32, #tpu.memory_space<vmem>>, %arg22: memref<80xf32, #tpu.memory_space<vmem>>, %arg23: memref<10240x128xf32, #tpu.memory_space<vmem_shared>>, %arg24: memref<10240xf32, #tpu.memory_space<vmem_shared>>, %arg25: memref<!tpu.dma_semaphore, #tpu.memory_space<semaphore_mem>>, %arg26: memref<!tpu.dma_semaphore, #tpu.memory_space<semaphore_mem>>, %arg27: memref<!tpu.dma_semaphore, #tpu.memory_space<semaphore_mem>>, %arg28: memref<!tpu.dma_semaphore, #tpu.memory_space<semaphore_mem>>, %arg29: memref<!tpu.dma_semaphore, #tpu.memory_space<semaphore_mem>>, %arg30: memref<!tpu.dma_semaphore, #tpu.memory_space<semaphore_mem>>, %arg31: memref<!tpu.dma_semaphore, #tpu.memory_space<semaphore_mem>>, %arg32: memref<!tpu.dma_semaphore, #tpu.memory_space<semaphore_mem>>, %arg33: memref<!tpu.dma_semaphore, #tpu.memory_space<semaphore_mem>>, %arg34: memref<!tpu.dma_semaphore, #tpu.memory_space<semaphore_mem>>, %arg35: memref<!tpu.dma_semaphore, #tpu.memory_space<semaphore_mem>>, %arg36: memref<!tpu.dma_semaphore, #tpu.memory_space<semaphore_mem>>, %arg37: memref<!tpu.dma_semaphore, #tpu.memory_space<semaphore_mem>>, %arg38: memref<!tpu.dma_semaphore, #tpu.memory_space<semaphore_mem>>, %arg39: memref<!tpu.dma_semaphore, #tpu.memory_space<semaphore_mem>>, %arg40: memref<!tpu.dma_semaphore, #tpu.memory_space<semaphore_mem>>, %arg41: memref<!tpu.dma_semaphore, #tpu.memory_space<semaphore_mem>>, %arg42: memref<!tpu.dma_semaphore, #tpu.memory_space<semaphore_mem>>, %arg43: memref<!tpu.dma_semaphore, #tpu.memory_space<semaphore_mem>>, %arg44: memref<!tpu.dma_semaphore, #tpu.memory_space<semaphore_mem>>) attributes {dimension_semantics = [#tpu.dimension_semantics<core_parallel>, #tpu.dimension_semantics<subcore_parallel>], iteration_bounds = array<i64: 2, 16>, scalar_prefetch = 0 : i64, scratch_operands = 35 : i64, tpu.core_type = #tpu.core_type<sc_vector_subcore>, window_params = [{transform_indices = #map}, {transform_indices = #map1}, {transform_indices = #map1}, {transform_indices = #map}, {transform_indices = #map1}, {transform_indices = #map1}, {transform_indices = #map2}, {transform_indices = #map}]} {
    %mul3A = arith.constant 2 : i32
    %mul3A_0 = arith.muli %arg1, %mul3A : i32
    %add3A = arith.addi %mul3A_0, %arg0 : i32
    %mul3A_1 = arith.constant 10000 : i32
    %mul3A_2 = arith.muli %add3A, %mul3A_1 : i32
    %add3A_3 = arith.constant 0 : i32
    %add3A_4 = arith.addi %mul3A_2, %add3A_3 : i32
    "tpu.region"() ({
      %run_scoped3A = tpu.sem_alloc : memref<!tpu.dma_semaphore, #tpu.memory_space<semaphore_mem>>
      %dma_start3A_143 = tpu.memref_slice %arg3[%add3A_4] : memref<320000xi32, #tpu.memory_space<hbm>> -> memref<80xi32, #tpu.memory_space<hbm>>
      %dma_start3A_144 = tpu.memref_slice %arg3[%add3A_4] : memref<320000xi32, #tpu.memory_space<hbm>> -> memref<80xi32, #tpu.memory_space<hbm>>
      tpu.enqueue_dma source(%dma_start3A_144 : memref<80xi32, #tpu.memory_space<hbm>>) target(%arg10 : memref<80xi32, #tpu.memory_space<vmem>>) target_semaphore(%run_scoped3A : memref<!tpu.dma_semaphore, #tpu.memory_space<semaphore_mem>>)
      %dma_wait3A_145 = tpu.memref_slice %arg3[%add3A_4] : memref<320000xi32, #tpu.memory_space<hbm>> -> memref<80xi32, #tpu.memory_space<hbm>>
      %dma_wait3A_146 = tpu.memref_slice %arg3[%add3A_4] : memref<320000xi32, #tpu.memory_space<hbm>> -> memref<80xi32, #tpu.memory_space<hbm>>
      tpu.wait_dma2 semaphore(%run_scoped3A : memref<!tpu.dma_semaphore, #tpu.memory_space<semaphore_mem>>) src(%dma_wait3A_146 : memref<80xi32, #tpu.memory_space<hbm>>) dst(%arg10 : memref<80xi32, #tpu.memory_space<vmem>>)
      tpu.yield
    }) : () -> ()
    %add3A_5 = arith.constant 80 : i32
    %add3A_6 = arith.addi %mul3A_2, %add3A_5 : i32
    "tpu.region"() ({
      %run_scoped3A = tpu.sem_alloc : memref<!tpu.dma_semaphore, #tpu.memory_space<semaphore_mem>>
      %dma_start3A_143 = tpu.memref_slice %arg3[%add3A_6] : memref<320000xi32, #tpu.memory_space<hbm>> -> memref<80xi32, #tpu.memory_space<hbm>>
      %dma_start3A_144 = tpu.memref_slice %arg3[%add3A_6] : memref<320000xi32, #tpu.memory_space<hbm>> -> memref<80xi32, #tpu.memory_space<hbm>>
      tpu.enqueue_dma source(%dma_start3A_144 : memref<80xi32, #tpu.memory_space<hbm>>) target(%arg11 : memref<80xi32, #tpu.memory_space<vmem>>) target_semaphore(%run_scoped3A : memref<!tpu.dma_semaphore, #tpu.memory_space<semaphore_mem>>)
      %dma_wait3A_145 = tpu.memref_slice %arg3[%add3A_6] : memref<320000xi32, #tpu.memory_space<hbm>> -> memref<80xi32, #tpu.memory_space<hbm>>
      %dma_wait3A_146 = tpu.memref_slice %arg3[%add3A_6] : memref<320000xi32, #tpu.memory_space<hbm>> -> memref<80xi32, #tpu.memory_space<hbm>>
      tpu.wait_dma2 semaphore(%run_scoped3A : memref<!tpu.dma_semaphore, #tpu.memory_space<semaphore_mem>>) src(%dma_wait3A_146 : memref<80xi32, #tpu.memory_space<hbm>>) dst(%arg11 : memref<80xi32, #tpu.memory_space<vmem>>)
      tpu.yield
    }) : () -> ()
    %add3A_7 = arith.constant 160 : i32
    %add3A_8 = arith.addi %mul3A_2, %add3A_7 : i32
    "tpu.region"() ({
      %run_scoped3A = tpu.sem_alloc : memref<!tpu.dma_semaphore, #tpu.memory_space<semaphore_mem>>
      %dma_start3A_143 = tpu.memref_slice %arg3[%add3A_8] : memref<320000xi32, #tpu.memory_space<hbm>> -> memref<80xi32, #tpu.memory_space<hbm>>
      %dma_start3A_144 = tpu.memref_slice %arg3[%add3A_8] : memref<320000xi32, #tpu.memory_space<hbm>> -> memref<80xi32, #tpu.memory_space<hbm>>
      tpu.enqueue_dma source(%dma_start3A_144 : memref<80xi32, #tpu.memory_space<hbm>>) target(%arg12 : memref<80xi32, #tpu.memory_space<vmem>>) target_semaphore(%run_scoped3A : memref<!tpu.dma_semaphore, #tpu.memory_space<semaphore_mem>>)
      %dma_wait3A_145 = tpu.memref_slice %arg3[%add3A_8] : memref<320000xi32, #tpu.memory_space<hbm>> -> memref<80xi32, #tpu.memory_space<hbm>>
      %dma_wait3A_146 = tpu.memref_slice %arg3[%add3A_8] : memref<320000xi32, #tpu.memory_space<hbm>> -> memref<80xi32, #tpu.memory_space<hbm>>
      tpu.wait_dma2 semaphore(%run_scoped3A : memref<!tpu.dma_semaphore, #tpu.memory_space<semaphore_mem>>) src(%dma_wait3A_146 : memref<80xi32, #tpu.memory_space<hbm>>) dst(%arg12 : memref<80xi32, #tpu.memory_space<vmem>>)
      tpu.yield
    }) : () -> ()
    %add3A_9 = arith.constant 240 : i32
    %add3A_10 = arith.addi %mul3A_2, %add3A_9 : i32
    "tpu.region"() ({
      %run_scoped3A = tpu.sem_alloc : memref<!tpu.dma_semaphore, #tpu.memory_space<semaphore_mem>>
      %dma_start3A_143 = tpu.memref_slice %arg3[%add3A_10] : memref<320000xi32, #tpu.memory_space<hbm>> -> memref<80xi32, #tpu.memory_space<hbm>>
      %dma_start3A_144 = tpu.memref_slice %arg3[%add3A_10] : memref<320000xi32, #tpu.memory_space<hbm>> -> memref<80xi32, #tpu.memory_space<hbm>>
      tpu.enqueue_dma source(%dma_start3A_144 : memref<80xi32, #tpu.memory_space<hbm>>) target(%arg13 : memref<80xi32, #tpu.memory_space<vmem>>) target_semaphore(%run_scoped3A : memref<!tpu.dma_semaphore, #tpu.memory_space<semaphore_mem>>)
      %dma_wait3A_145 = tpu.memref_slice %arg3[%add3A_10] : memref<320000xi32, #tpu.memory_space<hbm>> -> memref<80xi32, #tpu.memory_space<hbm>>
      %dma_wait3A_146 = tpu.memref_slice %arg3[%add3A_10] : memref<320000xi32, #tpu.memory_space<hbm>> -> memref<80xi32, #tpu.memory_space<hbm>>
      tpu.wait_dma2 semaphore(%run_scoped3A : memref<!tpu.dma_semaphore, #tpu.memory_space<semaphore_mem>>) src(%dma_wait3A_146 : memref<80xi32, #tpu.memory_space<hbm>>) dst(%arg13 : memref<80xi32, #tpu.memory_space<vmem>>)
      tpu.yield
    }) : () -> ()
    %dma_start3A = arith.constant 0 : i32
    %dma_start3A_11 = arith.constant 0 : i32
    %dma_start3A_12 = tpu.memref_slice %arg2[%dma_start3A, %dma_start3A_11] : memref<10000x128xf32, #tpu.memory_space<hbm>> -> memref<10000x128xf32, #tpu.memory_space<hbm>>
    tpu.enqueue_indirect_dma source(%dma_start3A_12 : memref<10000x128xf32, #tpu.memory_space<hbm>>) target(%arg18 : memref<80x128xf32, #tpu.memory_space<vmem>>) offsets(%arg10 : memref<80xi32, #tpu.memory_space<vmem>>) semaphore(%arg25 : memref<!tpu.dma_semaphore, #tpu.memory_space<semaphore_mem>>)
    %add3A_13 = arith.constant 0 : i32
    %add3A_14 = arith.addi %mul3A_2, %add3A_13 : i32
    %dma_start3A_15 = tpu.memref_slice %arg4[%add3A_14] : memref<320000xi32, #tpu.memory_space<hbm>> -> memref<80xi32, #tpu.memory_space<hbm>>
    %dma_start3A_16 = tpu.memref_slice %arg4[%add3A_14] : memref<320000xi32, #tpu.memory_space<hbm>> -> memref<80xi32, #tpu.memory_space<hbm>>
    tpu.enqueue_dma source(%dma_start3A_16 : memref<80xi32, #tpu.memory_space<hbm>>) target(%arg14 : memref<80xi32, #tpu.memory_space<vmem>>) target_semaphore(%arg33 : memref<!tpu.dma_semaphore, #tpu.memory_space<semaphore_mem>>)
    %dma_start3A_17 = arith.constant 0 : i32
    %dma_start3A_18 = arith.constant 0 : i32
    %dma_start3A_19 = tpu.memref_slice %arg2[%dma_start3A_17, %dma_start3A_18] : memref<10000x128xf32, #tpu.memory_space<hbm>> -> memref<10000x128xf32, #tpu.memory_space<hbm>>
    tpu.enqueue_indirect_dma source(%dma_start3A_19 : memref<10000x128xf32, #tpu.memory_space<hbm>>) target(%arg19 : memref<80x128xf32, #tpu.memory_space<vmem>>) offsets(%arg11 : memref<80xi32, #tpu.memory_space<vmem>>) semaphore(%arg26 : memref<!tpu.dma_semaphore, #tpu.memory_space<semaphore_mem>>)
    %add3A_20 = arith.constant 80 : i32
    %add3A_21 = arith.addi %mul3A_2, %add3A_20 : i32
    %dma_start3A_22 = tpu.memref_slice %arg4[%add3A_21] : memref<320000xi32, #tpu.memory_space<hbm>> -> memref<80xi32, #tpu.memory_space<hbm>>
    %dma_start3A_23 = tpu.memref_slice %arg4[%add3A_21] : memref<320000xi32, #tpu.memory_space<hbm>> -> memref<80xi32, #tpu.memory_space<hbm>>
    tpu.enqueue_dma source(%dma_start3A_23 : memref<80xi32, #tpu.memory_space<hbm>>) target(%arg15 : memref<80xi32, #tpu.memory_space<vmem>>) target_semaphore(%arg34 : memref<!tpu.dma_semaphore, #tpu.memory_space<semaphore_mem>>)
    %dma_start3A_24 = arith.constant 0 : i32
    %dma_start3A_25 = arith.constant 0 : i32
    %dma_start3A_26 = tpu.memref_slice %arg2[%dma_start3A_24, %dma_start3A_25] : memref<10000x128xf32, #tpu.memory_space<hbm>> -> memref<10000x128xf32, #tpu.memory_space<hbm>>
    tpu.enqueue_indirect_dma source(%dma_start3A_26 : memref<10000x128xf32, #tpu.memory_space<hbm>>) target(%arg20 : memref<80x128xf32, #tpu.memory_space<vmem>>) offsets(%arg12 : memref<80xi32, #tpu.memory_space<vmem>>) semaphore(%arg27 : memref<!tpu.dma_semaphore, #tpu.memory_space<semaphore_mem>>)
    %add3A_27 = arith.constant 160 : i32
    %add3A_28 = arith.addi %mul3A_2, %add3A_27 : i32
    %dma_start3A_29 = tpu.memref_slice %arg4[%add3A_28] : memref<320000xi32, #tpu.memory_space<hbm>> -> memref<80xi32, #tpu.memory_space<hbm>>
    %dma_start3A_30 = tpu.memref_slice %arg4[%add3A_28] : memref<320000xi32, #tpu.memory_space<hbm>> -> memref<80xi32, #tpu.memory_space<hbm>>
    tpu.enqueue_dma source(%dma_start3A_30 : memref<80xi32, #tpu.memory_space<hbm>>) target(%arg16 : memref<80xi32, #tpu.memory_space<vmem>>) target_semaphore(%arg35 : memref<!tpu.dma_semaphore, #tpu.memory_space<semaphore_mem>>)
    %dma_start3A_31 = arith.constant 0 : i32
    %dma_start3A_32 = arith.constant 0 : i32
    %dma_start3A_33 = tpu.memref_slice %arg2[%dma_start3A_31, %dma_start3A_32] : memref<10000x128xf32, #tpu.memory_space<hbm>> -> memref<10000x128xf32, #tpu.memory_space<hbm>>
    tpu.enqueue_indirect_dma source(%dma_start3A_33 : memref<10000x128xf32, #tpu.memory_space<hbm>>) target(%arg21 : memref<80x128xf32, #tpu.memory_space<vmem>>) offsets(%arg13 : memref<80xi32, #tpu.memory_space<vmem>>) semaphore(%arg28 : memref<!tpu.dma_semaphore, #tpu.memory_space<semaphore_mem>>)
    %add3A_34 = arith.constant 240 : i32
    %add3A_35 = arith.addi %mul3A_2, %add3A_34 : i32
    %dma_start3A_36 = tpu.memref_slice %arg4[%add3A_35] : memref<320000xi32, #tpu.memory_space<hbm>> -> memref<80xi32, #tpu.memory_space<hbm>>
    %dma_start3A_37 = tpu.memref_slice %arg4[%add3A_35] : memref<320000xi32, #tpu.memory_space<hbm>> -> memref<80xi32, #tpu.memory_space<hbm>>
    tpu.enqueue_dma source(%dma_start3A_37 : memref<80xi32, #tpu.memory_space<hbm>>) target(%arg17 : memref<80xi32, #tpu.memory_space<vmem>>) target_semaphore(%arg36 : memref<!tpu.dma_semaphore, #tpu.memory_space<semaphore_mem>>)
    %mul3A_38 = arith.constant 640 : i32
    %mul3A_39 = arith.muli %arg1, %mul3A_38 : i32
    "tpu.region"() ({
      %run_scoped3A = tpu.sem_alloc : memref<!tpu.dma_semaphore, #tpu.memory_space<semaphore_mem>>
      %dma_start3A_143 = arith.constant 0 : i32
      %dma_start3A_144 = tpu.memref_slice %arg23[%mul3A_39, %dma_start3A_143] : memref<10240x128xf32, #tpu.memory_space<vmem_shared>> -> memref<640x128xf32, #tpu.memory_space<vmem_shared>>
      tpu.enqueue_dma source(%arg5 : memref<640x128xf32, #tpu.memory_space<hbm>>) target(%dma_start3A_144 : memref<640x128xf32, #tpu.memory_space<vmem_shared>>) target_semaphore(%run_scoped3A : memref<!tpu.dma_semaphore, #tpu.memory_space<semaphore_mem>>)
      %dma_wait3A_145 = arith.constant 0 : i32
      %dma_wait3A_146 = tpu.memref_slice %arg23[%mul3A_39, %dma_wait3A_145] : memref<10240x128xf32, #tpu.memory_space<vmem_shared>> -> memref<640x128xf32, #tpu.memory_space<vmem_shared>>
      tpu.wait_dma2 semaphore(%run_scoped3A : memref<!tpu.dma_semaphore, #tpu.memory_space<semaphore_mem>>) src(%arg5 : memref<640x128xf32, #tpu.memory_space<hbm>>) dst(%dma_wait3A_146 : memref<640x128xf32, #tpu.memory_space<vmem_shared>>)
      tpu.yield
    }) : () -> ()
    %mul3A_40 = arith.constant 640 : i32
    %mul3A_41 = arith.muli %arg1, %mul3A_40 : i32
    "tpu.region"() ({
      %run_scoped3A = tpu.sem_alloc : memref<!tpu.dma_semaphore, #tpu.memory_space<semaphore_mem>>
      %dma_start3A_143 = tpu.memref_slice %arg24[%mul3A_41] : memref<10240xf32, #tpu.memory_space<vmem_shared>> -> memref<640xf32, #tpu.memory_space<vmem_shared>>
      tpu.enqueue_dma source(%arg6 : memref<640xf32, #tpu.memory_space<hbm>>) target(%dma_start3A_143 : memref<640xf32, #tpu.memory_space<vmem_shared>>) target_semaphore(%run_scoped3A : memref<!tpu.dma_semaphore, #tpu.memory_space<semaphore_mem>>)
      %dma_wait3A_144 = tpu.memref_slice %arg24[%mul3A_41] : memref<10240xf32, #tpu.memory_space<vmem_shared>> -> memref<640xf32, #tpu.memory_space<vmem_shared>>
      tpu.wait_dma2 semaphore(%run_scoped3A : memref<!tpu.dma_semaphore, #tpu.memory_space<semaphore_mem>>) src(%arg6 : memref<640xf32, #tpu.memory_space<hbm>>) dst(%dma_wait3A_144 : memref<640xf32, #tpu.memory_space<vmem_shared>>)
      tpu.yield
    }) : () -> ()
    "tpu.region"() ({
      %run_scoped3A = tpu.sem_alloc : memref<!tpu.dma_semaphore, #tpu.memory_space<semaphore_mem>>
      tpu.enqueue_dma source(%arg7 : memref<80xf32, #tpu.memory_space<hbm>>) target(%arg22 : memref<80xf32, #tpu.memory_space<vmem>>) target_semaphore(%run_scoped3A : memref<!tpu.dma_semaphore, #tpu.memory_space<semaphore_mem>>)
      tpu.wait_dma2 semaphore(%run_scoped3A : memref<!tpu.dma_semaphore, #tpu.memory_space<semaphore_mem>>) src(%arg7 : memref<80xf32, #tpu.memory_space<hbm>>) dst(%arg22 : memref<80xf32, #tpu.memory_space<vmem>>)
      tpu.yield
    }) : () -> ()
    %barrier3A = arith.constant 0 : index
    tpu.barrier barrier_id(%barrier3A)
    %scan3A = arith.constant 0 : i32
    %scan3A_42 = arith.constant 0 : i32
    %scan3A_43 = arith.constant 30 : i32
    %scan3A_44 = arith.addi %scan3A_42, %scan3A_43 : i32
    %scan3A_45 = arith.constant 1 : i32
    scf.for %scan3A_143 = %scan3A_42 to %scan3A_44 step %scan3A_45  : i32 {
      %mul3A_144 = arith.constant 4 : i32
      %mul3A_145 = arith.muli %mul3A_144, %scan3A_143 : i32
      %add3A_146 = arith.constant 0 : i32
      %add3A_147 = arith.addi %mul3A_145, %add3A_146 : i32
      %dma_wait3A_148 = arith.constant 0 : i32
      %dma_wait3A_149 = arith.constant 0 : i32
      %dma_wait3A_150 = tpu.memref_slice %arg2[%dma_wait3A_148, %dma_wait3A_149] : memref<10000x128xf32, #tpu.memory_space<hbm>> -> memref<10000x128xf32, #tpu.memory_space<hbm>>
      tpu.wait_indirect_dma semaphore(%arg25 : memref<!tpu.dma_semaphore, #tpu.memory_space<semaphore_mem>>) src(%dma_wait3A_150 : memref<10000x128xf32, #tpu.memory_space<hbm>>) dst(%arg18 : memref<80x128xf32, #tpu.memory_space<vmem>>)
      %add3A_151 = arith.constant 4 : i32
      %add3A_152 = arith.addi %add3A_147, %add3A_151 : i32
      %mul3A_153 = arith.constant 80 : i32
      %mul3A_154 = arith.muli %add3A_152, %mul3A_153 : i32
      %add3A_155 = arith.addi %mul3A_2, %mul3A_154 : i32
      %dma_start3A_156 = tpu.memref_slice %arg3[%add3A_155] : memref<320000xi32, #tpu.memory_space<hbm>> -> memref<80xi32, #tpu.memory_space<hbm>>
      %dma_start3A_157 = tpu.memref_slice %arg3[%add3A_155] : memref<320000xi32, #tpu.memory_space<hbm>> -> memref<80xi32, #tpu.memory_space<hbm>>
      tpu.enqueue_dma source(%dma_start3A_157 : memref<80xi32, #tpu.memory_space<hbm>>) target(%arg10 : memref<80xi32, #tpu.memory_space<vmem>>) target_semaphore(%arg29 : memref<!tpu.dma_semaphore, #tpu.memory_space<semaphore_mem>>)
      %dma_wait3A_158 = tpu.memref_slice %arg4[%mul3A_2] : memref<320000xi32, #tpu.memory_space<hbm>> -> memref<80xi32, #tpu.memory_space<hbm>>
      %dma_wait3A_159 = tpu.memref_slice %arg4[%mul3A_2] : memref<320000xi32, #tpu.memory_space<hbm>> -> memref<80xi32, #tpu.memory_space<hbm>>
      tpu.wait_dma2 semaphore(%arg33 : memref<!tpu.dma_semaphore, #tpu.memory_space<semaphore_mem>>) src(%dma_wait3A_159 : memref<80xi32, #tpu.memory_space<hbm>>) dst(%arg14 : memref<80xi32, #tpu.memory_space<vmem>>)
      %dma_start3A_160 = arith.constant 0 : i32
      %dma_start3A_161 = arith.constant 0 : i32
      %dma_start3A_162 = tpu.memref_slice %arg23[%dma_start3A_160, %dma_start3A_161] : memref<10240x128xf32, #tpu.memory_space<vmem_shared>> -> memref<10240x128xf32, #tpu.memory_space<vmem_shared>>
      tpu.enqueue_indirect_dma source(%arg18 : memref<80x128xf32, #tpu.memory_space<vmem>>) target(%dma_start3A_162 : memref<10240x128xf32, #tpu.memory_space<vmem_shared>>) offsets(%arg14 : memref<80xi32, #tpu.memory_space<vmem>>) semaphore(%arg37 : memref<!tpu.dma_semaphore, #tpu.memory_space<semaphore_mem>>) {add = true}
      %dma_start3A_163 = arith.constant 0 : i32
      %dma_start3A_164 = tpu.memref_slice %arg24[%dma_start3A_163] : memref<10240xf32, #tpu.memory_space<vmem_shared>> -> memref<10240xf32, #tpu.memory_space<vmem_shared>>
      tpu.enqueue_indirect_dma source(%arg22 : memref<80xf32, #tpu.memory_space<vmem>>) target(%dma_start3A_164 : memref<10240xf32, #tpu.memory_space<vmem_shared>>) offsets(%arg14 : memref<80xi32, #tpu.memory_space<vmem>>) semaphore(%arg41 : memref<!tpu.dma_semaphore, #tpu.memory_space<semaphore_mem>>) {add = true}
      %dma_wait3A_165 = arith.constant 0 : i32
      %dma_wait3A_166 = arith.constant 0 : i32
      %dma_wait3A_167 = tpu.memref_slice %arg23[%dma_wait3A_165, %dma_wait3A_166] : memref<10240x128xf32, #tpu.memory_space<vmem_shared>> -> memref<10240x128xf32, #tpu.memory_space<vmem_shared>>
      tpu.wait_indirect_dma semaphore(%arg37 : memref<!tpu.dma_semaphore, #tpu.memory_space<semaphore_mem>>) src(%arg18 : memref<80x128xf32, #tpu.memory_space<vmem>>) dst(%dma_wait3A_167 : memref<10240x128xf32, #tpu.memory_space<vmem_shared>>)
      %dma_wait3A_168 = tpu.memref_slice %arg3[%mul3A_2] : memref<320000xi32, #tpu.memory_space<hbm>> -> memref<80xi32, #tpu.memory_space<hbm>>
      %dma_wait3A_169 = tpu.memref_slice %arg3[%mul3A_2] : memref<320000xi32, #tpu.memory_space<hbm>> -> memref<80xi32, #tpu.memory_space<hbm>>
      tpu.wait_dma2 semaphore(%arg29 : memref<!tpu.dma_semaphore, #tpu.memory_space<semaphore_mem>>) src(%dma_wait3A_169 : memref<80xi32, #tpu.memory_space<hbm>>) dst(%arg10 : memref<80xi32, #tpu.memory_space<vmem>>)
      %dma_start3A_170 = arith.constant 0 : i32
      %dma_start3A_171 = arith.constant 0 : i32
      %dma_start3A_172 = tpu.memref_slice %arg2[%dma_start3A_170, %dma_start3A_171] : memref<10000x128xf32, #tpu.memory_space<hbm>> -> memref<10000x128xf32, #tpu.memory_space<hbm>>
      tpu.enqueue_indirect_dma source(%dma_start3A_172 : memref<10000x128xf32, #tpu.memory_space<hbm>>) target(%arg18 : memref<80x128xf32, #tpu.memory_space<vmem>>) offsets(%arg10 : memref<80xi32, #tpu.memory_space<vmem>>) semaphore(%arg25 : memref<!tpu.dma_semaphore, #tpu.memory_space<semaphore_mem>>)
      %dma_wait3A_173 = arith.constant 0 : i32
      %dma_wait3A_174 = tpu.memref_slice %arg24[%dma_wait3A_173] : memref<10240xf32, #tpu.memory_space<vmem_shared>> -> memref<10240xf32, #tpu.memory_space<vmem_shared>>
      tpu.wait_indirect_dma semaphore(%arg41 : memref<!tpu.dma_semaphore, #tpu.memory_space<semaphore_mem>>) src(%arg22 : memref<80xf32, #tpu.memory_space<vmem>>) dst(%dma_wait3A_174 : memref<10240xf32, #tpu.memory_space<vmem_shared>>)
      %add3A_175 = arith.constant 4 : i32
      %add3A_176 = arith.addi %add3A_147, %add3A_175 : i32
      %mul3A_177 = arith.constant 80 : i32
      %mul3A_178 = arith.muli %add3A_176, %mul3A_177 : i32
      %add3A_179 = arith.addi %mul3A_2, %mul3A_178 : i32
      %dma_start3A_180 = tpu.memref_slice %arg4[%add3A_179] : memref<320000xi32, #tpu.memory_space<hbm>> -> memref<80xi32, #tpu.memory_space<hbm>>
      %dma_start3A_181 = tpu.memref_slice %arg4[%add3A_179] : memref<320000xi32, #tpu.memory_space<hbm>> -> memref<80xi32, #tpu.memory_space<hbm>>
      tpu.enqueue_dma source(%dma_start3A_181 : memref<80xi32, #tpu.memory_space<hbm>>) target(%arg14 : memref<80xi32, #tpu.memory_space<vmem>>) target_semaphore(%arg33 : memref<!tpu.dma_semaphore, #tpu.memory_space<semaphore_mem>>)
      %add3A_182 = arith.constant 1 : i32
      %add3A_183 = arith.addi %mul3A_145, %add3A_182 : i32
      %dma_wait3A_184 = arith.constant 0 : i32
      %dma_wait3A_185 = arith.constant 0 : i32
      %dma_wait3A_186 = tpu.memref_slice %arg2[%dma_wait3A_184, %dma_wait3A_185] : memref<10000x128xf32, #tpu.memory_space<hbm>> -> memref<10000x128xf32, #tpu.memory_space<hbm>>
      tpu.wait_indirect_dma semaphore(%arg26 : memref<!tpu.dma_semaphore, #tpu.memory_space<semaphore_mem>>) src(%dma_wait3A_186 : memref<10000x128xf32, #tpu.memory_space<hbm>>) dst(%arg19 : memref<80x128xf32, #tpu.memory_space<vmem>>)
      %add3A_187 = arith.constant 4 : i32
      %add3A_188 = arith.addi %add3A_183, %add3A_187 : i32
      %mul3A_189 = arith.constant 80 : i32
      %mul3A_190 = arith.muli %add3A_188, %mul3A_189 : i32
      %add3A_191 = arith.addi %mul3A_2, %mul3A_190 : i32
      %dma_start3A_192 = tpu.memref_slice %arg3[%add3A_191] : memref<320000xi32, #tpu.memory_space<hbm>> -> memref<80xi32, #tpu.memory_space<hbm>>
      %dma_start3A_193 = tpu.memref_slice %arg3[%add3A_191] : memref<320000xi32, #tpu.memory_space<hbm>> -> memref<80xi32, #tpu.memory_space<hbm>>
      tpu.enqueue_dma source(%dma_start3A_193 : memref<80xi32, #tpu.memory_space<hbm>>) target(%arg11 : memref<80xi32, #tpu.memory_space<vmem>>) target_semaphore(%arg30 : memref<!tpu.dma_semaphore, #tpu.memory_space<semaphore_mem>>)
      %dma_wait3A_194 = tpu.memref_slice %arg4[%mul3A_2] : memref<320000xi32, #tpu.memory_space<hbm>> -> memref<80xi32, #tpu.memory_space<hbm>>
      %dma_wait3A_195 = tpu.memref_slice %arg4[%mul3A_2] : memref<320000xi32, #tpu.memory_space<hbm>> -> memref<80xi32, #tpu.memory_space<hbm>>
      tpu.wait_dma2 semaphore(%arg34 : memref<!tpu.dma_semaphore, #tpu.memory_space<semaphore_mem>>) src(%dma_wait3A_195 : memref<80xi32, #tpu.memory_space<hbm>>) dst(%arg15 : memref<80xi32, #tpu.memory_space<vmem>>)
      %dma_start3A_196 = arith.constant 0 : i32
      %dma_start3A_197 = arith.constant 0 : i32
      %dma_start3A_198 = tpu.memref_slice %arg23[%dma_start3A_196, %dma_start3A_197] : memref<10240x128xf32, #tpu.memory_space<vmem_shared>> -> memref<10240x128xf32, #tpu.memory_space<vmem_shared>>
      tpu.enqueue_indirect_dma source(%arg19 : memref<80x128xf32, #tpu.memory_space<vmem>>) target(%dma_start3A_198 : memref<10240x128xf32, #tpu.memory_space<vmem_shared>>) offsets(%arg15 : memref<80xi32, #tpu.memory_space<vmem>>) semaphore(%arg38 : memref<!tpu.dma_semaphore, #tpu.memory_space<semaphore_mem>>) {add = true}
      %dma_start3A_199 = arith.constant 0 : i32
      %dma_start3A_200 = tpu.memref_slice %arg24[%dma_start3A_199] : memref<10240xf32, #tpu.memory_space<vmem_shared>> -> memref<10240xf32, #tpu.memory_space<vmem_shared>>
      tpu.enqueue_indirect_dma source(%arg22 : memref<80xf32, #tpu.memory_space<vmem>>) target(%dma_start3A_200 : memref<10240xf32, #tpu.memory_space<vmem_shared>>) offsets(%arg15 : memref<80xi32, #tpu.memory_space<vmem>>) semaphore(%arg42 : memref<!tpu.dma_semaphore, #tpu.memory_space<semaphore_mem>>) {add = true}
      %dma_wait3A_201 = arith.constant 0 : i32
      %dma_wait3A_202 = arith.constant 0 : i32
      %dma_wait3A_203 = tpu.memref_slice %arg23[%dma_wait3A_201, %dma_wait3A_202] : memref<10240x128xf32, #tpu.memory_space<vmem_shared>> -> memref<10240x128xf32, #tpu.memory_space<vmem_shared>>
      tpu.wait_indirect_dma semaphore(%arg38 : memref<!tpu.dma_semaphore, #tpu.memory_space<semaphore_mem>>) src(%arg19 : memref<80x128xf32, #tpu.memory_space<vmem>>) dst(%dma_wait3A_203 : memref<10240x128xf32, #tpu.memory_space<vmem_shared>>)
      %dma_wait3A_204 = tpu.memref_slice %arg3[%mul3A_2] : memref<320000xi32, #tpu.memory_space<hbm>> -> memref<80xi32, #tpu.memory_space<hbm>>
      %dma_wait3A_205 = tpu.memref_slice %arg3[%mul3A_2] : memref<320000xi32, #tpu.memory_space<hbm>> -> memref<80xi32, #tpu.memory_space<hbm>>
      tpu.wait_dma2 semaphore(%arg30 : memref<!tpu.dma_semaphore, #tpu.memory_space<semaphore_mem>>) src(%dma_wait3A_205 : memref<80xi32, #tpu.memory_space<hbm>>) dst(%arg11 : memref<80xi32, #tpu.memory_space<vmem>>)
      %dma_start3A_206 = arith.constant 0 : i32
      %dma_start3A_207 = arith.constant 0 : i32
      %dma_start3A_208 = tpu.memref_slice %arg2[%dma_start3A_206, %dma_start3A_207] : memref<10000x128xf32, #tpu.memory_space<hbm>> -> memref<10000x128xf32, #tpu.memory_space<hbm>>
      tpu.enqueue_indirect_dma source(%dma_start3A_208 : memref<10000x128xf32, #tpu.memory_space<hbm>>) target(%arg19 : memref<80x128xf32, #tpu.memory_space<vmem>>) offsets(%arg11 : memref<80xi32, #tpu.memory_space<vmem>>) semaphore(%arg26 : memref<!tpu.dma_semaphore, #tpu.memory_space<semaphore_mem>>)
      %dma_wait3A_209 = arith.constant 0 : i32
      %dma_wait3A_210 = tpu.memref_slice %arg24[%dma_wait3A_209] : memref<10240xf32, #tpu.memory_space<vmem_shared>> -> memref<10240xf32, #tpu.memory_space<vmem_shared>>
      tpu.wait_indirect_dma semaphore(%arg42 : memref<!tpu.dma_semaphore, #tpu.memory_space<semaphore_mem>>) src(%arg22 : memref<80xf32, #tpu.memory_space<vmem>>) dst(%dma_wait3A_210 : memref<10240xf32, #tpu.memory_space<vmem_shared>>)
      %add3A_211 = arith.constant 4 : i32
      %add3A_212 = arith.addi %add3A_183, %add3A_211 : i32
      %mul3A_213 = arith.constant 80 : i32
      %mul3A_214 = arith.muli %add3A_212, %mul3A_213 : i32
      %add3A_215 = arith.addi %mul3A_2, %mul3A_214 : i32
      %dma_start3A_216 = tpu.memref_slice %arg4[%add3A_215] : memref<320000xi32, #tpu.memory_space<hbm>> -> memref<80xi32, #tpu.memory_space<hbm>>
      %dma_start3A_217 = tpu.memref_slice %arg4[%add3A_215] : memref<320000xi32, #tpu.memory_space<hbm>> -> memref<80xi32, #tpu.memory_space<hbm>>
      tpu.enqueue_dma source(%dma_start3A_217 : memref<80xi32, #tpu.memory_space<hbm>>) target(%arg15 : memref<80xi32, #tpu.memory_space<vmem>>) target_semaphore(%arg34 : memref<!tpu.dma_semaphore, #tpu.memory_space<semaphore_mem>>)
      %add3A_218 = arith.constant 2 : i32
      %add3A_219 = arith.addi %mul3A_145, %add3A_218 : i32
      %dma_wait3A_220 = arith.constant 0 : i32
      %dma_wait3A_221 = arith.constant 0 : i32
      %dma_wait3A_222 = tpu.memref_slice %arg2[%dma_wait3A_220, %dma_wait3A_221] : memref<10000x128xf32, #tpu.memory_space<hbm>> -> memref<10000x128xf32, #tpu.memory_space<hbm>>
      tpu.wait_indirect_dma semaphore(%arg27 : memref<!tpu.dma_semaphore, #tpu.memory_space<semaphore_mem>>) src(%dma_wait3A_222 : memref<10000x128xf32, #tpu.memory_space<hbm>>) dst(%arg20 : memref<80x128xf32, #tpu.memory_space<vmem>>)
      %add3A_223 = arith.constant 4 : i32
      %add3A_224 = arith.addi %add3A_219, %add3A_223 : i32
      %mul3A_225 = arith.constant 80 : i32
      %mul3A_226 = arith.muli %add3A_224, %mul3A_225 : i32
      %add3A_227 = arith.addi %mul3A_2, %mul3A_226 : i32
      %dma_start3A_228 = tpu.memref_slice %arg3[%add3A_227] : memref<320000xi32, #tpu.memory_space<hbm>> -> memref<80xi32, #tpu.memory_space<hbm>>
      %dma_start3A_229 = tpu.memref_slice %arg3[%add3A_227] : memref<320000xi32, #tpu.memory_space<hbm>> -> memref<80xi32, #tpu.memory_space<hbm>>
      tpu.enqueue_dma source(%dma_start3A_229 : memref<80xi32, #tpu.memory_space<hbm>>) target(%arg12 : memref<80xi32, #tpu.memory_space<vmem>>) target_semaphore(%arg31 : memref<!tpu.dma_semaphore, #tpu.memory_space<semaphore_mem>>)
      %dma_wait3A_230 = tpu.memref_slice %arg4[%mul3A_2] : memref<320000xi32, #tpu.memory_space<hbm>> -> memref<80xi32, #tpu.memory_space<hbm>>
      %dma_wait3A_231 = tpu.memref_slice %arg4[%mul3A_2] : memref<320000xi32, #tpu.memory_space<hbm>> -> memref<80xi32, #tpu.memory_space<hbm>>
      tpu.wait_dma2 semaphore(%arg35 : memref<!tpu.dma_semaphore, #tpu.memory_space<semaphore_mem>>) src(%dma_wait3A_231 : memref<80xi32, #tpu.memory_space<hbm>>) dst(%arg16 : memref<80xi32, #tpu.memory_space<vmem>>)
      %dma_start3A_232 = arith.constant 0 : i32
      %dma_start3A_233 = arith.constant 0 : i32
      %dma_start3A_234 = tpu.memref_slice %arg23[%dma_start3A_232, %dma_start3A_233] : memref<10240x128xf32, #tpu.memory_space<vmem_shared>> -> memref<10240x128xf32, #tpu.memory_space<vmem_shared>>
      tpu.enqueue_indirect_dma source(%arg20 : memref<80x128xf32, #tpu.memory_space<vmem>>) target(%dma_start3A_234 : memref<10240x128xf32, #tpu.memory_space<vmem_shared>>) offsets(%arg16 : memref<80xi32, #tpu.memory_space<vmem>>) semaphore(%arg39 : memref<!tpu.dma_semaphore, #tpu.memory_space<semaphore_mem>>) {add = true}
      %dma_start3A_235 = arith.constant 0 : i32
      %dma_start3A_236 = tpu.memref_slice %arg24[%dma_start3A_235] : memref<10240xf32, #tpu.memory_space<vmem_shared>> -> memref<10240xf32, #tpu.memory_space<vmem_shared>>
      tpu.enqueue_indirect_dma source(%arg22 : memref<80xf32, #tpu.memory_space<vmem>>) target(%dma_start3A_236 : memref<10240xf32, #tpu.memory_space<vmem_shared>>) offsets(%arg16 : memref<80xi32, #tpu.memory_space<vmem>>) semaphore(%arg43 : memref<!tpu.dma_semaphore, #tpu.memory_space<semaphore_mem>>) {add = true}
      %dma_wait3A_237 = arith.constant 0 : i32
      %dma_wait3A_238 = arith.constant 0 : i32
      %dma_wait3A_239 = tpu.memref_slice %arg23[%dma_wait3A_237, %dma_wait3A_238] : memref<10240x128xf32, #tpu.memory_space<vmem_shared>> -> memref<10240x128xf32, #tpu.memory_space<vmem_shared>>
      tpu.wait_indirect_dma semaphore(%arg39 : memref<!tpu.dma_semaphore, #tpu.memory_space<semaphore_mem>>) src(%arg20 : memref<80x128xf32, #tpu.memory_space<vmem>>) dst(%dma_wait3A_239 : memref<10240x128xf32, #tpu.memory_space<vmem_shared>>)
      %dma_wait3A_240 = tpu.memref_slice %arg3[%mul3A_2] : memref<320000xi32, #tpu.memory_space<hbm>> -> memref<80xi32, #tpu.memory_space<hbm>>
      %dma_wait3A_241 = tpu.memref_slice %arg3[%mul3A_2] : memref<320000xi32, #tpu.memory_space<hbm>> -> memref<80xi32, #tpu.memory_space<hbm>>
      tpu.wait_dma2 semaphore(%arg31 : memref<!tpu.dma_semaphore, #tpu.memory_space<semaphore_mem>>) src(%dma_wait3A_241 : memref<80xi32, #tpu.memory_space<hbm>>) dst(%arg12 : memref<80xi32, #tpu.memory_space<vmem>>)
      %dma_start3A_242 = arith.constant 0 : i32
      %dma_start3A_243 = arith.constant 0 : i32
      %dma_start3A_244 = tpu.memref_slice %arg2[%dma_start3A_242, %dma_start3A_243] : memref<10000x128xf32, #tpu.memory_space<hbm>> -> memref<10000x128xf32, #tpu.memory_space<hbm>>
      tpu.enqueue_indirect_dma source(%dma_start3A_244 : memref<10000x128xf32, #tpu.memory_space<hbm>>) target(%arg20 : memref<80x128xf32, #tpu.memory_space<vmem>>) offsets(%arg12 : memref<80xi32, #tpu.memory_space<vmem>>) semaphore(%arg27 : memref<!tpu.dma_semaphore, #tpu.memory_space<semaphore_mem>>)
      %dma_wait3A_245 = arith.constant 0 : i32
      %dma_wait3A_246 = tpu.memref_slice %arg24[%dma_wait3A_245] : memref<10240xf32, #tpu.memory_space<vmem_shared>> -> memref<10240xf32, #tpu.memory_space<vmem_shared>>
      tpu.wait_indirect_dma semaphore(%arg43 : memref<!tpu.dma_semaphore, #tpu.memory_space<semaphore_mem>>) src(%arg22 : memref<80xf32, #tpu.memory_space<vmem>>) dst(%dma_wait3A_246 : memref<10240xf32, #tpu.memory_space<vmem_shared>>)
      %add3A_247 = arith.constant 4 : i32
      %add3A_248 = arith.addi %add3A_219, %add3A_247 : i32
      %mul3A_249 = arith.constant 80 : i32
      %mul3A_250 = arith.muli %add3A_248, %mul3A_249 : i32
      %add3A_251 = arith.addi %mul3A_2, %mul3A_250 : i32
      %dma_start3A_252 = tpu.memref_slice %arg4[%add3A_251] : memref<320000xi32, #tpu.memory_space<hbm>> -> memref<80xi32, #tpu.memory_space<hbm>>
      %dma_start3A_253 = tpu.memref_slice %arg4[%add3A_251] : memref<320000xi32, #tpu.memory_space<hbm>> -> memref<80xi32, #tpu.memory_space<hbm>>
      tpu.enqueue_dma source(%dma_start3A_253 : memref<80xi32, #tpu.memory_space<hbm>>) target(%arg16 : memref<80xi32, #tpu.memory_space<vmem>>) target_semaphore(%arg35 : memref<!tpu.dma_semaphore, #tpu.memory_space<semaphore_mem>>)
      %add3A_254 = arith.constant 3 : i32
      %add3A_255 = arith.addi %mul3A_145, %add3A_254 : i32
      %dma_wait3A_256 = arith.constant 0 : i32
      %dma_wait3A_257 = arith.constant 0 : i32
      %dma_wait3A_258 = tpu.memref_slice %arg2[%dma_wait3A_256, %dma_wait3A_257] : memref<10000x128xf32, #tpu.memory_space<hbm>> -> memref<10000x128xf32, #tpu.memory_space<hbm>>
      tpu.wait_indirect_dma semaphore(%arg28 : memref<!tpu.dma_semaphore, #tpu.memory_space<semaphore_mem>>) src(%dma_wait3A_258 : memref<10000x128xf32, #tpu.memory_space<hbm>>) dst(%arg21 : memref<80x128xf32, #tpu.memory_space<vmem>>)
      %add3A_259 = arith.constant 4 : i32
      %add3A_260 = arith.addi %add3A_255, %add3A_259 : i32
      %mul3A_261 = arith.constant 80 : i32
      %mul3A_262 = arith.muli %add3A_260, %mul3A_261 : i32
      %add3A_263 = arith.addi %mul3A_2, %mul3A_262 : i32
      %dma_start3A_264 = tpu.memref_slice %arg3[%add3A_263] : memref<320000xi32, #tpu.memory_space<hbm>> -> memref<80xi32, #tpu.memory_space<hbm>>
      %dma_start3A_265 = tpu.memref_slice %arg3[%add3A_263] : memref<320000xi32, #tpu.memory_space<hbm>> -> memref<80xi32, #tpu.memory_space<hbm>>
      tpu.enqueue_dma source(%dma_start3A_265 : memref<80xi32, #tpu.memory_space<hbm>>) target(%arg13 : memref<80xi32, #tpu.memory_space<vmem>>) target_semaphore(%arg32 : memref<!tpu.dma_semaphore, #tpu.memory_space<semaphore_mem>>)
      %dma_wait3A_266 = tpu.memref_slice %arg4[%mul3A_2] : memref<320000xi32, #tpu.memory_space<hbm>> -> memref<80xi32, #tpu.memory_space<hbm>>
      %dma_wait3A_267 = tpu.memref_slice %arg4[%mul3A_2] : memref<320000xi32, #tpu.memory_space<hbm>> -> memref<80xi32, #tpu.memory_space<hbm>>
      tpu.wait_dma2 semaphore(%arg36 : memref<!tpu.dma_semaphore, #tpu.memory_space<semaphore_mem>>) src(%dma_wait3A_267 : memref<80xi32, #tpu.memory_space<hbm>>) dst(%arg17 : memref<80xi32, #tpu.memory_space<vmem>>)
      %dma_start3A_268 = arith.constant 0 : i32
      %dma_start3A_269 = arith.constant 0 : i32
      %dma_start3A_270 = tpu.memref_slice %arg23[%dma_start3A_268, %dma_start3A_269] : memref<10240x128xf32, #tpu.memory_space<vmem_shared>> -> memref<10240x128xf32, #tpu.memory_space<vmem_shared>>
      tpu.enqueue_indirect_dma source(%arg21 : memref<80x128xf32, #tpu.memory_space<vmem>>) target(%dma_start3A_270 : memref<10240x128xf32, #tpu.memory_space<vmem_shared>>) offsets(%arg17 : memref<80xi32, #tpu.memory_space<vmem>>) semaphore(%arg40 : memref<!tpu.dma_semaphore, #tpu.memory_space<semaphore_mem>>) {add = true}
      %dma_start3A_271 = arith.constant 0 : i32
      %dma_start3A_272 = tpu.memref_slice %arg24[%dma_start3A_271] : memref<10240xf32, #tpu.memory_space<vmem_shared>> -> memref<10240xf32, #tpu.memory_space<vmem_shared>>
      tpu.enqueue_indirect_dma source(%arg22 : memref<80xf32, #tpu.memory_space<vmem>>) target(%dma_start3A_272 : memref<10240xf32, #tpu.memory_space<vmem_shared>>) offsets(%arg17 : memref<80xi32, #tpu.memory_space<vmem>>) semaphore(%arg44 : memref<!tpu.dma_semaphore, #tpu.memory_space<semaphore_mem>>) {add = true}
      %dma_wait3A_273 = arith.constant 0 : i32
      %dma_wait3A_274 = arith.constant 0 : i32
      %dma_wait3A_275 = tpu.memref_slice %arg23[%dma_wait3A_273, %dma_wait3A_274] : memref<10240x128xf32, #tpu.memory_space<vmem_shared>> -> memref<10240x128xf32, #tpu.memory_space<vmem_shared>>
      tpu.wait_indirect_dma semaphore(%arg40 : memref<!tpu.dma_semaphore, #tpu.memory_space<semaphore_mem>>) src(%arg21 : memref<80x128xf32, #tpu.memory_space<vmem>>) dst(%dma_wait3A_275 : memref<10240x128xf32, #tpu.memory_space<vmem_shared>>)
      %dma_wait3A_276 = tpu.memref_slice %arg3[%mul3A_2] : memref<320000xi32, #tpu.memory_space<hbm>> -> memref<80xi32, #tpu.memory_space<hbm>>
      %dma_wait3A_277 = tpu.memref_slice %arg3[%mul3A_2] : memref<320000xi32, #tpu.memory_space<hbm>> -> memref<80xi32, #tpu.memory_space<hbm>>
      tpu.wait_dma2 semaphore(%arg32 : memref<!tpu.dma_semaphore, #tpu.memory_space<semaphore_mem>>) src(%dma_wait3A_277 : memref<80xi32, #tpu.memory_space<hbm>>) dst(%arg13 : memref<80xi32, #tpu.memory_space<vmem>>)
      %dma_start3A_278 = arith.constant 0 : i32
      %dma_start3A_279 = arith.constant 0 : i32
      %dma_start3A_280 = tpu.memref_slice %arg2[%dma_start3A_278, %dma_start3A_279] : memref<10000x128xf32, #tpu.memory_space<hbm>> -> memref<10000x128xf32, #tpu.memory_space<hbm>>
      tpu.enqueue_indirect_dma source(%dma_start3A_280 : memref<10000x128xf32, #tpu.memory_space<hbm>>) target(%arg21 : memref<80x128xf32, #tpu.memory_space<vmem>>) offsets(%arg13 : memref<80xi32, #tpu.memory_space<vmem>>) semaphore(%arg28 : memref<!tpu.dma_semaphore, #tpu.memory_space<semaphore_mem>>)
      %dma_wait3A_281 = arith.constant 0 : i32
      %dma_wait3A_282 = tpu.memref_slice %arg24[%dma_wait3A_281] : memref<10240xf32, #tpu.memory_space<vmem_shared>> -> memref<10240xf32, #tpu.memory_space<vmem_shared>>
      tpu.wait_indirect_dma semaphore(%arg44 : memref<!tpu.dma_semaphore, #tpu.memory_space<semaphore_mem>>) src(%arg22 : memref<80xf32, #tpu.memory_space<vmem>>) dst(%dma_wait3A_282 : memref<10240xf32, #tpu.memory_space<vmem_shared>>)
      %add3A_283 = arith.constant 4 : i32
      %add3A_284 = arith.addi %add3A_255, %add3A_283 : i32
      %mul3A_285 = arith.constant 80 : i32
      %mul3A_286 = arith.muli %add3A_284, %mul3A_285 : i32
      %add3A_287 = arith.addi %mul3A_2, %mul3A_286 : i32
      %dma_start3A_288 = tpu.memref_slice %arg4[%add3A_287] : memref<320000xi32, #tpu.memory_space<hbm>> -> memref<80xi32, #tpu.memory_space<hbm>>
      %dma_start3A_289 = tpu.memref_slice %arg4[%add3A_287] : memref<320000xi32, #tpu.memory_space<hbm>> -> memref<80xi32, #tpu.memory_space<hbm>>
      tpu.enqueue_dma source(%dma_start3A_289 : memref<80xi32, #tpu.memory_space<hbm>>) target(%arg17 : memref<80xi32, #tpu.memory_space<vmem>>) target_semaphore(%arg36 : memref<!tpu.dma_semaphore, #tpu.memory_space<semaphore_mem>>)
    }
    %scan3A_46 = arith.constant 30 : i32
    %dma_wait3A = arith.constant 0 : i32
    %dma_wait3A_47 = arith.constant 0 : i32
    %dma_wait3A_48 = tpu.memref_slice %arg2[%dma_wait3A, %dma_wait3A_47] : memref<10000x128xf32, #tpu.memory_space<hbm>> -> memref<10000x128xf32, #tpu.memory_space<hbm>>
    tpu.wait_indirect_dma semaphore(%arg25 : memref<!tpu.dma_semaphore, #tpu.memory_space<semaphore_mem>>) src(%dma_wait3A_48 : memref<10000x128xf32, #tpu.memory_space<hbm>>) dst(%arg18 : memref<80x128xf32, #tpu.memory_space<vmem>>)
    %add3A_49 = arith.constant 9920 : i32
    %add3A_50 = arith.addi %mul3A_2, %add3A_49 : i32
    %dma_start3A_51 = tpu.memref_slice %arg3[%add3A_50] : memref<320000xi32, #tpu.memory_space<hbm>> -> memref<80xi32, #tpu.memory_space<hbm>>
    %dma_start3A_52 = tpu.memref_slice %arg3[%add3A_50] : memref<320000xi32, #tpu.memory_space<hbm>> -> memref<80xi32, #tpu.memory_space<hbm>>
    tpu.enqueue_dma source(%dma_start3A_52 : memref<80xi32, #tpu.memory_space<hbm>>) target(%arg10 : memref<80xi32, #tpu.memory_space<vmem>>) target_semaphore(%arg29 : memref<!tpu.dma_semaphore, #tpu.memory_space<semaphore_mem>>)
    %dma_wait3A_53 = tpu.memref_slice %arg4[%mul3A_2] : memref<320000xi32, #tpu.memory_space<hbm>> -> memref<80xi32, #tpu.memory_space<hbm>>
    %dma_wait3A_54 = tpu.memref_slice %arg4[%mul3A_2] : memref<320000xi32, #tpu.memory_space<hbm>> -> memref<80xi32, #tpu.memory_space<hbm>>
    tpu.wait_dma2 semaphore(%arg33 : memref<!tpu.dma_semaphore, #tpu.memory_space<semaphore_mem>>) src(%dma_wait3A_54 : memref<80xi32, #tpu.memory_space<hbm>>) dst(%arg14 : memref<80xi32, #tpu.memory_space<vmem>>)
    %dma_start3A_55 = arith.constant 0 : i32
    %dma_start3A_56 = arith.constant 0 : i32
    %dma_start3A_57 = tpu.memref_slice %arg23[%dma_start3A_55, %dma_start3A_56] : memref<10240x128xf32, #tpu.memory_space<vmem_shared>> -> memref<10240x128xf32, #tpu.memory_space<vmem_shared>>
    tpu.enqueue_indirect_dma source(%arg18 : memref<80x128xf32, #tpu.memory_space<vmem>>) target(%dma_start3A_57 : memref<10240x128xf32, #tpu.memory_space<vmem_shared>>) offsets(%arg14 : memref<80xi32, #tpu.memory_space<vmem>>) semaphore(%arg37 : memref<!tpu.dma_semaphore, #tpu.memory_space<semaphore_mem>>) {add = true}
    %dma_start3A_58 = arith.constant 0 : i32
    %dma_start3A_59 = tpu.memref_slice %arg24[%dma_start3A_58] : memref<10240xf32, #tpu.memory_space<vmem_shared>> -> memref<10240xf32, #tpu.memory_space<vmem_shared>>
    tpu.enqueue_indirect_dma source(%arg22 : memref<80xf32, #tpu.memory_space<vmem>>) target(%dma_start3A_59 : memref<10240xf32, #tpu.memory_space<vmem_shared>>) offsets(%arg14 : memref<80xi32, #tpu.memory_space<vmem>>) semaphore(%arg41 : memref<!tpu.dma_semaphore, #tpu.memory_space<semaphore_mem>>) {add = true}
    %dma_wait3A_60 = arith.constant 0 : i32
    %dma_wait3A_61 = arith.constant 0 : i32
    %dma_wait3A_62 = tpu.memref_slice %arg23[%dma_wait3A_60, %dma_wait3A_61] : memref<10240x128xf32, #tpu.memory_space<vmem_shared>> -> memref<10240x128xf32, #tpu.memory_space<vmem_shared>>
    tpu.wait_indirect_dma semaphore(%arg37 : memref<!tpu.dma_semaphore, #tpu.memory_space<semaphore_mem>>) src(%arg18 : memref<80x128xf32, #tpu.memory_space<vmem>>) dst(%dma_wait3A_62 : memref<10240x128xf32, #tpu.memory_space<vmem_shared>>)
    %dma_wait3A_63 = tpu.memref_slice %arg3[%mul3A_2] : memref<320000xi32, #tpu.memory_space<hbm>> -> memref<80xi32, #tpu.memory_space<hbm>>
    %dma_wait3A_64 = tpu.memref_slice %arg3[%mul3A_2] : memref<320000xi32, #tpu.memory_space<hbm>> -> memref<80xi32, #tpu.memory_space<hbm>>
    tpu.wait_dma2 semaphore(%arg29 : memref<!tpu.dma_semaphore, #tpu.memory_space<semaphore_mem>>) src(%dma_wait3A_64 : memref<80xi32, #tpu.memory_space<hbm>>) dst(%arg10 : memref<80xi32, #tpu.memory_space<vmem>>)
    %dma_start3A_65 = arith.constant 0 : i32
    %dma_start3A_66 = arith.constant 0 : i32
    %dma_start3A_67 = tpu.memref_slice %arg2[%dma_start3A_65, %dma_start3A_66] : memref<10000x128xf32, #tpu.memory_space<hbm>> -> memref<10000x128xf32, #tpu.memory_space<hbm>>
    tpu.enqueue_indirect_dma source(%dma_start3A_67 : memref<10000x128xf32, #tpu.memory_space<hbm>>) target(%arg18 : memref<80x128xf32, #tpu.memory_space<vmem>>) offsets(%arg10 : memref<80xi32, #tpu.memory_space<vmem>>) semaphore(%arg25 : memref<!tpu.dma_semaphore, #tpu.memory_space<semaphore_mem>>)
    %dma_wait3A_68 = arith.constant 0 : i32
    %dma_wait3A_69 = tpu.memref_slice %arg24[%dma_wait3A_68] : memref<10240xf32, #tpu.memory_space<vmem_shared>> -> memref<10240xf32, #tpu.memory_space<vmem_shared>>
    tpu.wait_indirect_dma semaphore(%arg41 : memref<!tpu.dma_semaphore, #tpu.memory_space<semaphore_mem>>) src(%arg22 : memref<80xf32, #tpu.memory_space<vmem>>) dst(%dma_wait3A_69 : memref<10240xf32, #tpu.memory_space<vmem_shared>>)
    %add3A_70 = arith.constant 9920 : i32
    %add3A_71 = arith.addi %mul3A_2, %add3A_70 : i32
    %dma_start3A_72 = tpu.memref_slice %arg4[%add3A_71] : memref<320000xi32, #tpu.memory_space<hbm>> -> memref<80xi32, #tpu.memory_space<hbm>>
    %dma_start3A_73 = tpu.memref_slice %arg4[%add3A_71] : memref<320000xi32, #tpu.memory_space<hbm>> -> memref<80xi32, #tpu.memory_space<hbm>>
    tpu.enqueue_dma source(%dma_start3A_73 : memref<80xi32, #tpu.memory_space<hbm>>) target(%arg14 : memref<80xi32, #tpu.memory_space<vmem>>) target_semaphore(%arg33 : memref<!tpu.dma_semaphore, #tpu.memory_space<semaphore_mem>>)
    %dma_wait3A_74 = arith.constant 0 : i32
    %dma_wait3A_75 = arith.constant 0 : i32
    %dma_wait3A_76 = tpu.memref_slice %arg2[%dma_wait3A_74, %dma_wait3A_75] : memref<10000x128xf32, #tpu.memory_space<hbm>> -> memref<10000x128xf32, #tpu.memory_space<hbm>>
    tpu.wait_indirect_dma semaphore(%arg26 : memref<!tpu.dma_semaphore, #tpu.memory_space<semaphore_mem>>) src(%dma_wait3A_76 : memref<10000x128xf32, #tpu.memory_space<hbm>>) dst(%arg19 : memref<80x128xf32, #tpu.memory_space<vmem>>)
    %dma_wait3A_77 = tpu.memref_slice %arg4[%mul3A_2] : memref<320000xi32, #tpu.memory_space<hbm>> -> memref<80xi32, #tpu.memory_space<hbm>>
    %dma_wait3A_78 = tpu.memref_slice %arg4[%mul3A_2] : memref<320000xi32, #tpu.memory_space<hbm>> -> memref<80xi32, #tpu.memory_space<hbm>>
    tpu.wait_dma2 semaphore(%arg34 : memref<!tpu.dma_semaphore, #tpu.memory_space<semaphore_mem>>) src(%dma_wait3A_78 : memref<80xi32, #tpu.memory_space<hbm>>) dst(%arg15 : memref<80xi32, #tpu.memory_space<vmem>>)
    %dma_start3A_79 = arith.constant 0 : i32
    %dma_start3A_80 = arith.constant 0 : i32
    %dma_start3A_81 = tpu.memref_slice %arg23[%dma_start3A_79, %dma_start3A_80] : memref<10240x128xf32, #tpu.memory_space<vmem_shared>> -> memref<10240x128xf32, #tpu.memory_space<vmem_shared>>
    tpu.enqueue_indirect_dma source(%arg19 : memref<80x128xf32, #tpu.memory_space<vmem>>) target(%dma_start3A_81 : memref<10240x128xf32, #tpu.memory_space<vmem_shared>>) offsets(%arg15 : memref<80xi32, #tpu.memory_space<vmem>>) semaphore(%arg38 : memref<!tpu.dma_semaphore, #tpu.memory_space<semaphore_mem>>) {add = true}
    %dma_start3A_82 = arith.constant 0 : i32
    %dma_start3A_83 = tpu.memref_slice %arg24[%dma_start3A_82] : memref<10240xf32, #tpu.memory_space<vmem_shared>> -> memref<10240xf32, #tpu.memory_space<vmem_shared>>
    tpu.enqueue_indirect_dma source(%arg22 : memref<80xf32, #tpu.memory_space<vmem>>) target(%dma_start3A_83 : memref<10240xf32, #tpu.memory_space<vmem_shared>>) offsets(%arg15 : memref<80xi32, #tpu.memory_space<vmem>>) semaphore(%arg42 : memref<!tpu.dma_semaphore, #tpu.memory_space<semaphore_mem>>) {add = true}
    %dma_wait3A_84 = arith.constant 0 : i32
    %dma_wait3A_85 = arith.constant 0 : i32
    %dma_wait3A_86 = tpu.memref_slice %arg23[%dma_wait3A_84, %dma_wait3A_85] : memref<10240x128xf32, #tpu.memory_space<vmem_shared>> -> memref<10240x128xf32, #tpu.memory_space<vmem_shared>>
    tpu.wait_indirect_dma semaphore(%arg38 : memref<!tpu.dma_semaphore, #tpu.memory_space<semaphore_mem>>) src(%arg19 : memref<80x128xf32, #tpu.memory_space<vmem>>) dst(%dma_wait3A_86 : memref<10240x128xf32, #tpu.memory_space<vmem_shared>>)
    %dma_wait3A_87 = arith.constant 0 : i32
    %dma_wait3A_88 = tpu.memref_slice %arg24[%dma_wait3A_87] : memref<10240xf32, #tpu.memory_space<vmem_shared>> -> memref<10240xf32, #tpu.memory_space<vmem_shared>>
    tpu.wait_indirect_dma semaphore(%arg42 : memref<!tpu.dma_semaphore, #tpu.memory_space<semaphore_mem>>) src(%arg22 : memref<80xf32, #tpu.memory_space<vmem>>) dst(%dma_wait3A_88 : memref<10240xf32, #tpu.memory_space<vmem_shared>>)
    %dma_wait3A_89 = arith.constant 0 : i32
    %dma_wait3A_90 = arith.constant 0 : i32
    %dma_wait3A_91 = tpu.memref_slice %arg2[%dma_wait3A_89, %dma_wait3A_90] : memref<10000x128xf32, #tpu.memory_space<hbm>> -> memref<10000x128xf32, #tpu.memory_space<hbm>>
    tpu.wait_indirect_dma semaphore(%arg27 : memref<!tpu.dma_semaphore, #tpu.memory_space<semaphore_mem>>) src(%dma_wait3A_91 : memref<10000x128xf32, #tpu.memory_space<hbm>>) dst(%arg20 : memref<80x128xf32, #tpu.memory_space<vmem>>)
    %dma_wait3A_92 = tpu.memref_slice %arg4[%mul3A_2] : memref<320000xi32, #tpu.memory_space<hbm>> -> memref<80xi32, #tpu.memory_space<hbm>>
    %dma_wait3A_93 = tpu.memref_slice %arg4[%mul3A_2] : memref<320000xi32, #tpu.memory_space<hbm>> -> memref<80xi32, #tpu.memory_space<hbm>>
    tpu.wait_dma2 semaphore(%arg35 : memref<!tpu.dma_semaphore, #tpu.memory_space<semaphore_mem>>) src(%dma_wait3A_93 : memref<80xi32, #tpu.memory_space<hbm>>) dst(%arg16 : memref<80xi32, #tpu.memory_space<vmem>>)
    %dma_start3A_94 = arith.constant 0 : i32
    %dma_start3A_95 = arith.constant 0 : i32
    %dma_start3A_96 = tpu.memref_slice %arg23[%dma_start3A_94, %dma_start3A_95] : memref<10240x128xf32, #tpu.memory_space<vmem_shared>> -> memref<10240x128xf32, #tpu.memory_space<vmem_shared>>
    tpu.enqueue_indirect_dma source(%arg20 : memref<80x128xf32, #tpu.memory_space<vmem>>) target(%dma_start3A_96 : memref<10240x128xf32, #tpu.memory_space<vmem_shared>>) offsets(%arg16 : memref<80xi32, #tpu.memory_space<vmem>>) semaphore(%arg39 : memref<!tpu.dma_semaphore, #tpu.memory_space<semaphore_mem>>) {add = true}
    %dma_start3A_97 = arith.constant 0 : i32
    %dma_start3A_98 = tpu.memref_slice %arg24[%dma_start3A_97] : memref<10240xf32, #tpu.memory_space<vmem_shared>> -> memref<10240xf32, #tpu.memory_space<vmem_shared>>
    tpu.enqueue_indirect_dma source(%arg22 : memref<80xf32, #tpu.memory_space<vmem>>) target(%dma_start3A_98 : memref<10240xf32, #tpu.memory_space<vmem_shared>>) offsets(%arg16 : memref<80xi32, #tpu.memory_space<vmem>>) semaphore(%arg43 : memref<!tpu.dma_semaphore, #tpu.memory_space<semaphore_mem>>) {add = true}
    %dma_wait3A_99 = arith.constant 0 : i32
    %dma_wait3A_100 = arith.constant 0 : i32
    %dma_wait3A_101 = tpu.memref_slice %arg23[%dma_wait3A_99, %dma_wait3A_100] : memref<10240x128xf32, #tpu.memory_space<vmem_shared>> -> memref<10240x128xf32, #tpu.memory_space<vmem_shared>>
    tpu.wait_indirect_dma semaphore(%arg39 : memref<!tpu.dma_semaphore, #tpu.memory_space<semaphore_mem>>) src(%arg20 : memref<80x128xf32, #tpu.memory_space<vmem>>) dst(%dma_wait3A_101 : memref<10240x128xf32, #tpu.memory_space<vmem_shared>>)
    %dma_wait3A_102 = arith.constant 0 : i32
    %dma_wait3A_103 = tpu.memref_slice %arg24[%dma_wait3A_102] : memref<10240xf32, #tpu.memory_space<vmem_shared>> -> memref<10240xf32, #tpu.memory_space<vmem_shared>>
    tpu.wait_indirect_dma semaphore(%arg43 : memref<!tpu.dma_semaphore, #tpu.memory_space<semaphore_mem>>) src(%arg22 : memref<80xf32, #tpu.memory_space<vmem>>) dst(%dma_wait3A_103 : memref<10240xf32, #tpu.memory_space<vmem_shared>>)
    %dma_wait3A_104 = arith.constant 0 : i32
    %dma_wait3A_105 = arith.constant 0 : i32
    %dma_wait3A_106 = tpu.memref_slice %arg2[%dma_wait3A_104, %dma_wait3A_105] : memref<10000x128xf32, #tpu.memory_space<hbm>> -> memref<10000x128xf32, #tpu.memory_space<hbm>>
    tpu.wait_indirect_dma semaphore(%arg28 : memref<!tpu.dma_semaphore, #tpu.memory_space<semaphore_mem>>) src(%dma_wait3A_106 : memref<10000x128xf32, #tpu.memory_space<hbm>>) dst(%arg21 : memref<80x128xf32, #tpu.memory_space<vmem>>)
    %dma_wait3A_107 = tpu.memref_slice %arg4[%mul3A_2] : memref<320000xi32, #tpu.memory_space<hbm>> -> memref<80xi32, #tpu.memory_space<hbm>>
    %dma_wait3A_108 = tpu.memref_slice %arg4[%mul3A_2] : memref<320000xi32, #tpu.memory_space<hbm>> -> memref<80xi32, #tpu.memory_space<hbm>>
    tpu.wait_dma2 semaphore(%arg36 : memref<!tpu.dma_semaphore, #tpu.memory_space<semaphore_mem>>) src(%dma_wait3A_108 : memref<80xi32, #tpu.memory_space<hbm>>) dst(%arg17 : memref<80xi32, #tpu.memory_space<vmem>>)
    %dma_start3A_109 = arith.constant 0 : i32
    %dma_start3A_110 = arith.constant 0 : i32
    %dma_start3A_111 = tpu.memref_slice %arg23[%dma_start3A_109, %dma_start3A_110] : memref<10240x128xf32, #tpu.memory_space<vmem_shared>> -> memref<10240x128xf32, #tpu.memory_space<vmem_shared>>
    tpu.enqueue_indirect_dma source(%arg21 : memref<80x128xf32, #tpu.memory_space<vmem>>) target(%dma_start3A_111 : memref<10240x128xf32, #tpu.memory_space<vmem_shared>>) offsets(%arg17 : memref<80xi32, #tpu.memory_space<vmem>>) semaphore(%arg40 : memref<!tpu.dma_semaphore, #tpu.memory_space<semaphore_mem>>) {add = true}
    %dma_start3A_112 = arith.constant 0 : i32
    %dma_start3A_113 = tpu.memref_slice %arg24[%dma_start3A_112] : memref<10240xf32, #tpu.memory_space<vmem_shared>> -> memref<10240xf32, #tpu.memory_space<vmem_shared>>
    tpu.enqueue_indirect_dma source(%arg22 : memref<80xf32, #tpu.memory_space<vmem>>) target(%dma_start3A_113 : memref<10240xf32, #tpu.memory_space<vmem_shared>>) offsets(%arg17 : memref<80xi32, #tpu.memory_space<vmem>>) semaphore(%arg44 : memref<!tpu.dma_semaphore, #tpu.memory_space<semaphore_mem>>) {add = true}
    %dma_wait3A_114 = arith.constant 0 : i32
    %dma_wait3A_115 = arith.constant 0 : i32
    %dma_wait3A_116 = tpu.memref_slice %arg23[%dma_wait3A_114, %dma_wait3A_115] : memref<10240x128xf32, #tpu.memory_space<vmem_shared>> -> memref<10240x128xf32, #tpu.memory_space<vmem_shared>>
    tpu.wait_indirect_dma semaphore(%arg40 : memref<!tpu.dma_semaphore, #tpu.memory_space<semaphore_mem>>) src(%arg21 : memref<80x128xf32, #tpu.memory_space<vmem>>) dst(%dma_wait3A_116 : memref<10240x128xf32, #tpu.memory_space<vmem_shared>>)
    %dma_wait3A_117 = arith.constant 0 : i32
    %dma_wait3A_118 = tpu.memref_slice %arg24[%dma_wait3A_117] : memref<10240xf32, #tpu.memory_space<vmem_shared>> -> memref<10240xf32, #tpu.memory_space<vmem_shared>>
    tpu.wait_indirect_dma semaphore(%arg44 : memref<!tpu.dma_semaphore, #tpu.memory_space<semaphore_mem>>) src(%arg22 : memref<80xf32, #tpu.memory_space<vmem>>) dst(%dma_wait3A_118 : memref<10240xf32, #tpu.memory_space<vmem_shared>>)
    %dma_wait3A_119 = arith.constant 0 : i32
    %dma_wait3A_120 = arith.constant 0 : i32
    %dma_wait3A_121 = tpu.memref_slice %arg2[%dma_wait3A_119, %dma_wait3A_120] : memref<10000x128xf32, #tpu.memory_space<hbm>> -> memref<10000x128xf32, #tpu.memory_space<hbm>>
    tpu.wait_indirect_dma semaphore(%arg25 : memref<!tpu.dma_semaphore, #tpu.memory_space<semaphore_mem>>) src(%dma_wait3A_121 : memref<10000x128xf32, #tpu.memory_space<hbm>>) dst(%arg18 : memref<80x128xf32, #tpu.memory_space<vmem>>)
    %dma_wait3A_122 = tpu.memref_slice %arg4[%mul3A_2] : memref<320000xi32, #tpu.memory_space<hbm>> -> memref<80xi32, #tpu.memory_space<hbm>>
    %dma_wait3A_123 = tpu.memref_slice %arg4[%mul3A_2] : memref<320000xi32, #tpu.memory_space<hbm>> -> memref<80xi32, #tpu.memory_space<hbm>>
    tpu.wait_dma2 semaphore(%arg33 : memref<!tpu.dma_semaphore, #tpu.memory_space<semaphore_mem>>) src(%dma_wait3A_123 : memref<80xi32, #tpu.memory_space<hbm>>) dst(%arg14 : memref<80xi32, #tpu.memory_space<vmem>>)
    %dma_start3A_124 = arith.constant 0 : i32
    %dma_start3A_125 = arith.constant 0 : i32
    %dma_start3A_126 = tpu.memref_slice %arg23[%dma_start3A_124, %dma_start3A_125] : memref<10240x128xf32, #tpu.memory_space<vmem_shared>> -> memref<10240x128xf32, #tpu.memory_space<vmem_shared>>
    tpu.enqueue_indirect_dma source(%arg18 : memref<80x128xf32, #tpu.memory_space<vmem>>) target(%dma_start3A_126 : memref<10240x128xf32, #tpu.memory_space<vmem_shared>>) offsets(%arg14 : memref<80xi32, #tpu.memory_space<vmem>>) semaphore(%arg37 : memref<!tpu.dma_semaphore, #tpu.memory_space<semaphore_mem>>) {add = true}
    %dma_start3A_127 = arith.constant 0 : i32
    %dma_start3A_128 = tpu.memref_slice %arg24[%dma_start3A_127] : memref<10240xf32, #tpu.memory_space<vmem_shared>> -> memref<10240xf32, #tpu.memory_space<vmem_shared>>
    tpu.enqueue_indirect_dma source(%arg22 : memref<80xf32, #tpu.memory_space<vmem>>) target(%dma_start3A_128 : memref<10240xf32, #tpu.memory_space<vmem_shared>>) offsets(%arg14 : memref<80xi32, #tpu.memory_space<vmem>>) semaphore(%arg41 : memref<!tpu.dma_semaphore, #tpu.memory_space<semaphore_mem>>) {add = true}
    %dma_wait3A_129 = arith.constant 0 : i32
    %dma_wait3A_130 = arith.constant 0 : i32
    %dma_wait3A_131 = tpu.memref_slice %arg23[%dma_wait3A_129, %dma_wait3A_130] : memref<10240x128xf32, #tpu.memory_space<vmem_shared>> -> memref<10240x128xf32, #tpu.memory_space<vmem_shared>>
    tpu.wait_indirect_dma semaphore(%arg37 : memref<!tpu.dma_semaphore, #tpu.memory_space<semaphore_mem>>) src(%arg18 : memref<80x128xf32, #tpu.memory_space<vmem>>) dst(%dma_wait3A_131 : memref<10240x128xf32, #tpu.memory_space<vmem_shared>>)
    %dma_wait3A_132 = arith.constant 0 : i32
    %dma_wait3A_133 = tpu.memref_slice %arg24[%dma_wait3A_132] : memref<10240xf32, #tpu.memory_space<vmem_shared>> -> memref<10240xf32, #tpu.memory_space<vmem_shared>>
    tpu.wait_indirect_dma semaphore(%arg41 : memref<!tpu.dma_semaphore, #tpu.memory_space<semaphore_mem>>) src(%arg22 : memref<80xf32, #tpu.memory_space<vmem>>) dst(%dma_wait3A_133 : memref<10240xf32, #tpu.memory_space<vmem_shared>>)
    %barrier3A_134 = arith.constant 0 : index
    tpu.barrier barrier_id(%barrier3A_134)
    %mul3A_135 = arith.constant 640 : i32
    %mul3A_136 = arith.muli %arg1, %mul3A_135 : i32
    %mul3A_137 = arith.constant 640 : i32
    %mul3A_138 = arith.muli %arg1, %mul3A_137 : i32
    "tpu.region"() ({
      %run_scoped3A = tpu.sem_alloc : memref<!tpu.dma_semaphore, #tpu.memory_space<semaphore_mem>>
      %dma_start3A_143 = arith.constant 0 : i32
      %dma_start3A_144 = tpu.memref_slice %arg8[%arg0, %mul3A_138, %dma_start3A_143] : memref<2x10240x128xf32, #tpu.memory_space<hbm>> -> memref<1x640x128xf32, #tpu.memory_space<hbm>>
      %dma_start3A_145 = tpu.memref_squeeze %dma_start3A_144 : memref<1x640x128xf32, #tpu.memory_space<hbm>> -> memref<640x128xf32, #tpu.memory_space<hbm>>
      %dma_start3A_146 = arith.constant 0 : i32
      %dma_start3A_147 = tpu.memref_slice %arg23[%mul3A_136, %dma_start3A_146] : memref<10240x128xf32, #tpu.memory_space<vmem_shared>> -> memref<640x128xf32, #tpu.memory_space<vmem_shared>>
      tpu.enqueue_dma source(%dma_start3A_147 : memref<640x128xf32, #tpu.memory_space<vmem_shared>>) target(%dma_start3A_145 : memref<640x128xf32, #tpu.memory_space<hbm>>) target_semaphore(%run_scoped3A : memref<!tpu.dma_semaphore, #tpu.memory_space<semaphore_mem>>)
      %dma_wait3A_148 = arith.constant 0 : i32
      %dma_wait3A_149 = tpu.memref_slice %arg8[%arg0, %mul3A_138, %dma_wait3A_148] : memref<2x10240x128xf32, #tpu.memory_space<hbm>> -> memref<1x640x128xf32, #tpu.memory_space<hbm>>
      %dma_wait3A_150 = tpu.memref_squeeze %dma_wait3A_149 : memref<1x640x128xf32, #tpu.memory_space<hbm>> -> memref<640x128xf32, #tpu.memory_space<hbm>>
      %dma_wait3A_151 = arith.constant 0 : i32
      %dma_wait3A_152 = tpu.memref_slice %arg23[%mul3A_136, %dma_wait3A_151] : memref<10240x128xf32, #tpu.memory_space<vmem_shared>> -> memref<640x128xf32, #tpu.memory_space<vmem_shared>>
      tpu.wait_dma2 semaphore(%run_scoped3A : memref<!tpu.dma_semaphore, #tpu.memory_space<semaphore_mem>>) src(%dma_wait3A_152 : memref<640x128xf32, #tpu.memory_space<vmem_shared>>) dst(%dma_wait3A_150 : memref<640x128xf32, #tpu.memory_space<hbm>>)
      tpu.yield
    }) : () -> ()
    %mul3A_139 = arith.constant 640 : i32
    %mul3A_140 = arith.muli %arg1, %mul3A_139 : i32
    %mul3A_141 = arith.constant 640 : i32
    %mul3A_142 = arith.muli %arg1, %mul3A_141 : i32
    "tpu.region"() ({
      %run_scoped3A = tpu.sem_alloc : memref<!tpu.dma_semaphore, #tpu.memory_space<semaphore_mem>>
      %dma_start3A_143 = tpu.memref_slice %arg9[%arg0, %mul3A_142] : memref<2x10240xf32, #tpu.memory_space<hbm>> -> memref<1x640xf32, #tpu.memory_space<hbm>>
      %dma_start3A_144 = tpu.memref_squeeze %dma_start3A_143 : memref<1x640xf32, #tpu.memory_space<hbm>> -> memref<640xf32, #tpu.memory_space<hbm>>
      %dma_start3A_145 = tpu.memref_slice %arg24[%mul3A_140] : memref<10240xf32, #tpu.memory_space<vmem_shared>> -> memref<640xf32, #tpu.memory_space<vmem_shared>>
      tpu.enqueue_dma source(%dma_start3A_145 : memref<640xf32, #tpu.memory_space<vmem_shared>>) target(%dma_start3A_144 : memref<640xf32, #tpu.memory_space<hbm>>) target_semaphore(%run_scoped3A : memref<!tpu.dma_semaphore, #tpu.memory_space<semaphore_mem>>)
      %dma_wait3A_146 = tpu.memref_slice %arg9[%arg0, %mul3A_142] : memref<2x10240xf32, #tpu.memory_space<hbm>> -> memref<1x640xf32, #tpu.memory_space<hbm>>
      %dma_wait3A_147 = tpu.memref_squeeze %dma_wait3A_146 : memref<1x640xf32, #tpu.memory_space<hbm>> -> memref<640xf32, #tpu.memory_space<hbm>>
      %dma_wait3A_148 = tpu.memref_slice %arg24[%mul3A_140] : memref<10240xf32, #tpu.memory_space<vmem_shared>> -> memref<640xf32, #tpu.memory_space<vmem_shared>>
      tpu.wait_dma2 semaphore(%run_scoped3A : memref<!tpu.dma_semaphore, #tpu.memory_space<semaphore_mem>>) src(%dma_wait3A_148 : memref<640xf32, #tpu.memory_space<vmem_shared>>) dst(%dma_wait3A_147 : memref<640xf32, #tpu.memory_space<hbm>>)
      tpu.yield
    }) : () -> ()
    return
  }
}

module attributes {stable_mosaic.version = 14 : i64} {
  func.func @body(%arg0: i32, %arg1: memref<2x2000x128xf32, #tpu.memory_space<vmem>>, %arg2: memref<2000x2xf32, #tpu.memory_space<vmem>>, %arg3: memref<128x128xf32, #tpu.memory_space<vmem>>, %arg4: memref<128x128xf32, #tpu.memory_space<vmem>>, %arg5: memref<1x128xf32, #tpu.memory_space<vmem>>, %arg6: memref<2000x128xf32, #tpu.memory_space<vmem>>) attributes {dimension_semantics = [#tpu.dimension_semantics<arbitrary>], iteration_bounds = array<i64: 5>, scalar_prefetch = 0 : i64, scratch_operands = 0 : i64, tpu.core_type = #tpu.core_type<tc>, window_params = [{transform_indices = @transform_0, window_bounds = array<i64: 2, 2000, 128>}, {transform_indices = @transform_1, window_bounds = array<i64: 2000, 2>}, {pipeline_mode = #tpu.pipeline_mode<synchronous>, transform_indices = @transform_2, window_bounds = array<i64: 128, 128>}, {pipeline_mode = #tpu.pipeline_mode<synchronous>, transform_indices = @transform_3, window_bounds = array<i64: 128, 128>}, {pipeline_mode = #tpu.pipeline_mode<synchronous>, transform_indices = @transform_4, window_bounds = array<i64: 1, 128>}, {transform_indices = @transform_5, window_bounds = array<i64: 2000, 128>}]} {
    %get3A = arith.constant 0 : index
    %get3A_0 = arith.constant 0 : index
    %get3A_1 = vector.load %arg3[%get3A, %get3A_0] : memref<128x128xf32, #tpu.memory_space<vmem>>, vector<128x128xf32>
    %get3A_2 = arith.constant 0 : index
    %get3A_3 = arith.constant 0 : index
    %get3A_4 = vector.load %arg4[%get3A_2, %get3A_3] : memref<128x128xf32, #tpu.memory_space<vmem>>, vector<128x128xf32>
    %dot_general3A = arith.constant dense<0.000000e+00> : vector<128x128xf32>
    %dot_general3A_5 = tpu.matmul %get3A_1, %get3A_4, %dot_general3A {dimension_numbers = #tpu.dot_dimension_numbers<[1], [0], [0], [1], [0, 0, 1, 1], [], []>, transpose_lhs_hint = false} : vector<128x128xf32>, vector<128x128xf32>, vector<128x128xf32> -> vector<128x128xf32>
    %get3A_6 = arith.constant 0 : index
    %get3A_7 = arith.constant 0 : index
    %get3A_8 = vector.load %arg5[%get3A_6, %get3A_7] : memref<1x128xf32, #tpu.memory_space<vmem>>, vector<1x128xf32>
    %dot_general3A_9 = arith.constant dense<0.000000e+00> : vector<1x128xf32>
    %dot_general3A_10 = tpu.matmul %get3A_8, %get3A_1, %dot_general3A_9 {dimension_numbers = #tpu.dot_dimension_numbers<[1], [1], [0], [0], [0, 0, 1, 0], [], []>, transpose_lhs_hint = false} : vector<1x128xf32>, vector<128x128xf32>, vector<1x128xf32> -> vector<1x128xf32>
    %get3A_11 = arith.constant 0 : index
    %get3A_12 = arith.constant 0 : index
    %get3A_13 = arith.constant 0 : index
    %get3A_14 = vector.load %arg1[%get3A_11, %get3A_12, %get3A_13] : memref<2x2000x128xf32, #tpu.memory_space<vmem>>, vector<1x2000x128xf32>
    %get3A_15 = vector.shape_cast %get3A_14 : vector<1x2000x128xf32> to vector<2000x128xf32>
    %get3A_16 = arith.constant 1 : index
    %get3A_17 = arith.constant 0 : index
    %get3A_18 = arith.constant 0 : index
    %get3A_19 = vector.load %arg1[%get3A_16, %get3A_17, %get3A_18] : memref<2x2000x128xf32, #tpu.memory_space<vmem>>, vector<1x2000x128xf32>
    %get3A_20 = vector.shape_cast %get3A_19 : vector<1x2000x128xf32> to vector<2000x128xf32>
    %add3A = arith.addf %get3A_15, %get3A_20 : vector<2000x128xf32>
    %dot_general3A_21 = arith.constant dense<0.000000e+00> : vector<2000x128xf32>
    %dot_general3A_22 = tpu.matmul %add3A, %dot_general3A_5, %dot_general3A_21 {dimension_numbers = #tpu.dot_dimension_numbers<[1], [1], [0], [0], [0, 0, 1, 0], [], []>, transpose_lhs_hint = false} : vector<2000x128xf32>, vector<128x128xf32>, vector<2000x128xf32> -> vector<2000x128xf32>
    %get3A_23 = arith.constant 0 : index
    %get3A_24 = arith.constant 0 : index
    %get3A_25 = vector.load %arg2[%get3A_23, %get3A_24] : memref<2000x2xf32, #tpu.memory_space<vmem>>, vector<2000x2xf32>
    %slice3A = vector.extract_strided_slice %get3A_25 {offsets = [0, 0], sizes = [2000, 1], strides = [1, 1]} : vector<2000x2xf32> to vector<2000x1xf32>
    %slice3A_26 = vector.extract_strided_slice %get3A_25 {offsets = [0, 1], sizes = [2000, 1], strides = [1, 1]} : vector<2000x2xf32> to vector<2000x1xf32>
    %add3A_27 = arith.addf %slice3A, %slice3A_26 : vector<2000x1xf32>
    %mul3A = vector.broadcast %add3A_27 : vector<2000x1xf32> to vector<2000x128xf32>
    %mul3A_28 = vector.broadcast %dot_general3A_10 : vector<1x128xf32> to vector<2000x128xf32>
    %mul3A_29 = arith.mulf %mul3A, %mul3A_28 : vector<2000x128xf32>
    %add3A_30 = arith.addf %dot_general3A_22, %mul3A_29 : vector<2000x128xf32>
    %swap3A = arith.constant 0 : index
    %swap3A_31 = arith.constant 0 : index
    %swap3A_32 = vector.load %arg6[%swap3A, %swap3A_31] : memref<2000x128xf32, #tpu.memory_space<vmem>>, vector<2000x128xf32>
    tpu.vector_store %arg6[%swap3A, %swap3A_31], %add3A_30 {strides = array<i32>} : memref<2000x128xf32, #tpu.memory_space<vmem>>, vector<2000x128xf32>,
    return
  }
  func.func @transform_0(%arg0: i32) -> (i32, i32, i32) {
    %c0_i32 = arith.constant 0 : i32
    %c0_i32_0 = arith.constant 0 : i32
    %c0_i32_1 = arith.constant 0 : i32
    return %c0_i32, %arg0, %c0_i32_0 : i32, i32, i32
  }
  func.func @transform_1(%arg0: i32) -> (i32, i32) {
    %c0_i32 = arith.constant 0 : i32
    %c0_i32_0 = arith.constant 0 : i32
    return %arg0, %c0_i32 : i32, i32
  }
  func.func @transform_2(%arg0: i32) -> (i32, i32) {
    %c0_i32 = arith.constant 0 : i32
    %c0_i32_0 = arith.constant 0 : i32
    %c0_i32_1 = arith.constant 0 : i32
    return %c0_i32, %c0_i32_0 : i32, i32
  }
  func.func @transform_3(%arg0: i32) -> (i32, i32) {
    %c0_i32 = arith.constant 0 : i32
    %c0_i32_0 = arith.constant 0 : i32
    %c0_i32_1 = arith.constant 0 : i32
    return %c0_i32, %c0_i32_0 : i32, i32
  }
  func.func @transform_4(%arg0: i32) -> (i32, i32) {
    %c0_i32 = arith.constant 0 : i32
    %c0_i32_0 = arith.constant 0 : i32
    %c0_i32_1 = arith.constant 0 : i32
    return %c0_i32, %c0_i32_0 : i32, i32
  }
  func.func @transform_5(%arg0: i32) -> (i32, i32) {
    %c0_i32 = arith.constant 0 : i32
    %c0_i32_0 = arith.constant 0 : i32
    return %arg0, %c0_i32 : i32, i32
  }
}

</mosaic_0001>

<sc_bundles>
// kernel: kernel.4.cloned.1.call-start
scs
__scs_entry_jumppad:
0x0: {  	(pc) =	sbr.rel $0x88, $3  }
0x1: {  	(tag) =	ssettag $0x0;
	lr =	simm.s32 $0x1  }
0x2: {  	[smem:$0x3F9C] =	sst lr;
	_ =	strace $0xD0000000  }
0x3: {  	_ = 	snop  }
0x4: {  	_ = 	snop  }
0x5: {  	_ = 	snop  }
0x6: {  	_ = 	snop  }
0x7: {  	_ = 	snop  }
__scs_overlays_trampoline_lowered:
0x8: {  	[smem:$0x3FAB] =	sst s0  }
0x9: {  	[smem:$0x3FAC] =	sst s1  }
0xa: {  	[smem:$0x3FAD] =	sst s2  }
0xb: {  	[smem:$0x3FAE] =	sst s3  }
0xc: {  	[smem:$0x3FAF] =	sst s4  }
0xd: {  	[smem:$0x3FB0] =	sst s5  }
0xe: {  	[smem:$0x3FB1] =	sst s6  }
0xf: {  	[smem:$0x3FB2] =	sst s7  }
0x10: {  	[smem:$0x3FB3] =	sst s8  }
0x11: {  	[smem:$0x3FB4] =	sst s9;
	s0 =	simm.s32 @!p0 $0x0  }
0x12: {  	s1 =	sld [smem:$0x3F9A];
	s0 =	simm.s32 @p0 $0x1  }
0x13: {  	[smem:$0x3FB5] =	sst s0;
	s0 =	simm.s32 @!p1 $0x0  }
0x14: {  	s2 =	sld [smem:$0x3F99];
	s0 =	simm.s32 @p1 $0x1  }
0x15: {  	[smem:$0x3FB6] =	sst s0;
	s0 =	simm.s32 @!p2 $0x0  }
0x16: {  	s3 =	sld [smem:$0x3FDB];
	s0 =	simm.s32 @p2 $0x1  }
0x17: {  	s4 =	simm.s32 $0x1BF5;
	[smem:$0x3FB8] =	sst s0  }
0x18: {  	s0 =	sld [smem:$0x3F9B];
	_ =	swait.ge [sflag:s4], $0x0  }
0x19: {  	s7 =	sld [smem:$0x3F9C]  }
0x1a: {  	s8 =	sadd.s32 $0xFFFFE003, lr  }
0x1b: {  	s9 =	sadd.s32 $0xFFFFFEF7, lr;
	s5 =	simm.s32 $0xFFFFFFFF;
	p2 =	slt.u32 s8, $0xFFFFF086  }
0x1c: {  	p1 =	slt.u32 s9, $0xF7A;
	s5 =	simm.s32 @!p2 $0x0  }
0x1d: {  	s5 =	simm.s32 @p1 $0x1;
	p0 =	seq.s32 s7, s2  }
0x1e: {  	s7 =	smul.u32 @!p0 $0xF7A, s2;
	p2 =	seq.s32 @!p0 s5, $0x0  }
0x1f: {  	s9 =	smul.u32 $0xF7A, s1;
	s8 =	simm.s32 @!p0 $0x1BF5;
	p2 =	por !p2, p0  }
0x20: {  	[sflag:s8] =	ssyncset.s32 @!p0 $0xFFFFF086;
	s6 =	sadd.s32 @!p0 s3, s7;
	s7 =	simm.s32 @!p0 $0x108  }
0x21: {  	s3 =	sadd.s32 s3, s9;
	s6 =	sadd.s32 @!p0 $0x88, s6;
	s7 =	simm.s32 @p2 $0x1082  }
0x22: {  	[simem:s7], [sflag:s8] =	dma.local @!p0 [hbm:s6], $0xF7A  }
0x23: {  	s9 =	sor.u32 $0xD0000000, s2;
	s6 =	simm.s32 $0x108;
	_ =	swait.ge @!p0 [sflag:s8], $0x0  }
0x24: {  	s3 =	sadd.s32 $0x88, s3;
	s6 =	simm.s32 @!p1 $0x1082;
	[sflag:s4] =	ssyncset.s32 $0xFFFFF086  }
0x25: {  	[simem:s6], [sflag:s4] =	dma.local [hbm:s3], $0xF7A  }
0x26: {  	[smem:$0x3F9C] =	sst s1;
	(tag) =	ssettag s2;
	_ =	strace s9  }
0x27: {  	s1 =	sld [smem:$0x3FAC]  }
0x28: {  	s2 =	sld [smem:$0x3FAD]  }
0x29: {  	s4 =	sld [smem:$0x3FAF]  }
0x2a: {  	p0 =	seq.s32 s5, $0x0;
	s5 =	sld [smem:$0x3FB0]  }
0x2b: {  	s6 =	sld [smem:$0x3FB1]  }
0x2c: {  	s7 =	sld [smem:$0x3FB2]  }
0x2d: {  	s3 =	simm.s32 $0x108;
	s8 =	sld [smem:$0x3FB3]  }
0x2e: {  	s3 =	simm.s32 @!p0 $0x1082;
	s9 =	sld [smem:$0x3FB4]  }
0x2f: {  	lr =	sadd.s32 s0, s3;
	s0 =	sld [smem:$0x3FAB]  }
0x30: {  	s3 =	sld [smem:$0x3FAE]  }
0x31: {  	[smem:$0x3FB7] =	sst s10  }
0x32: {  	s10 =	sld [smem:$0x3FB5];
	_ =	sdelay $0x3  }
0x33: {  	p0 =	seq.s32 s10, $0x1;
	s10 =	sld [smem:$0x3FB7];
	_ =	sdelay $0x3  }
0x34: {  	[smem:$0x3FB7] =	sst s10  }
0x35: {  	s10 =	sld [smem:$0x3FB6];
	_ =	sdelay $0x3  }
0x36: {  	p1 =	seq.s32 s10, $0x1;
	s10 =	sld [smem:$0x3FB7];
	_ =	sdelay $0x3  }
0x37: {  	[smem:$0x3FB7] =	sst s10  }
0x38: {  	s10 =	sld [smem:$0x3FB8]  }
0x39: {  	_ = 	snop;
	(pc) =	sbr.ind lr, $3  }
0x3a: {  	_ = 	snop  }
0x3b: {  	_ = 	snop  }
0x3c: {  	p2 =	seq.s32 s10, $0x1;
	s10 =	sld [smem:$0x3FB7]  }
0x3d: {  	_ =	shalt  }
0x3e: {  	_ =	shalt  }
0x3f: {  	_ =	shalt  }
0x40: {  	_ =	shalt  }
0x41: {  	_ =	shalt  }
0x42: {  	_ =	shalt  }
0x43: {  	_ =	shalt  }
0x44: {  	_ =	shalt  }
0x45: {  	_ =	shalt  }
0x46: {  	_ =	shalt  }
0x47: {  	_ =	shalt  }
0x48: {  	_ =	shalt  }
0x49: {  	_ =	shalt  }
0x4a: {  	_ =	shalt  }
0x4b: {  	_ =	shalt  }
0x4c: {  	_ =	shalt  }
0x4d: {  	_ =	shalt  }
0x4e: {  	_ =	shalt  }
0x4f: {  	_ =	shalt  }
0x50: {  	_ =	shalt  }
0x51: {  	_ =	shalt  }
0x52: {  	_ =	shalt  }
0x53: {  	_ =	shalt  }
0x54: {  	_ =	shalt  }
0x55: {  	_ =	shalt  }
0x56: {  	_ =	shalt  }
0x57: {  	_ =	shalt  }
0x58: {  	_ =	shalt  }
0x59: {  	_ =	shalt  }
0x5a: {  	_ =	shalt  }
0x5b: {  	_ =	shalt  }
0x5c: {  	_ =	shalt  }
0x5d: {  	_ =	shalt  }
0x5e: {  	_ =	shalt  }
0x5f: {  	_ =	shalt  }
0x60: {  	_ =	shalt  }
0x61: {  	_ =	shalt  }
0x62: {  	_ =	shalt  }
0x63: {  	_ =	shalt  }
0x64: {  	_ =	shalt  }
0x65: {  	_ =	shalt  }
0x66: {  	_ =	shalt  }
0x67: {  	_ =	shalt  }
0x68: {  	_ =	shalt  }
0x69: {  	_ =	shalt  }
0x6a: {  	_ =	shalt  }
0x6b: {  	_ =	shalt  }
0x6c: {  	_ =	shalt  }
0x6d: {  	_ =	shalt  }
0x6e: {  	_ =	shalt  }
0x6f: {  	_ =	shalt  }
0x70: {  	_ =	shalt  }
0x71: {  	_ =	shalt  }
0x72: {  	_ =	shalt  }
0x73: {  	_ =	shalt  }
0x74: {  	_ =	shalt  }
0x75: {  	_ =	shalt  }
0x76: {  	_ =	shalt  }
0x77: {  	_ =	shalt  }
0x78: {  	_ =	shalt  }
0x79: {  	_ =	shalt  }
0x7a: {  	_ =	shalt  }
0x7b: {  	_ =	shalt  }
0x7c: {  	_ =	shalt  }
0x7d: {  	_ =	shalt  }
0x7e: {  	_ =	shalt  }
0x7f: {  	_ =	shalt  }
0x80: {  	_ =	shalt  }
0x81: {  	_ =	shalt  }
0x82: {  	_ =	shalt  }
0x83: {  	_ =	shalt  }
0x84: {  	_ =	shalt  }
0x85: {  	_ =	shalt  }
0x86: {  	_ =	shalt  }
0x87: {  	_ =	shalt  }
.Lfunc_end0:
.L_simem_size_0:
called_computation_lowered:
.L_overlay_start_0:
0x88: {  	s2 =	sld [smem:$0x3FD9]  }
0x89: {  	s3 =	sld [smem:$0x3FFE];
	_ =	sdelay $0x1  }
0x8a: {  	s1 =	srdreg.scid  }
0x8b: {  	s0 =	sand.u32 $0x1, s1  }
0x8c: {  	s17 =	sshll.u32 s0, $0xA;
	s2 =	sadd.s32 s3, s2  }
0x8d: {  	s2 =	sadd.s32 s2, s17  }
0x8e: {  	[smem:$0x3FC3] =	sst s2  }
0x8f: {  	_ = 	snop  }
0x90: {  	s2 =	sld [smem:$0x3FC9]  }
0x91: {  	s18 =	sld [smem:$0x3FD0];
	(tm) =	ssettm $0x1  }
0x92: {  	s4 =	sld [smem:$0x3FFB];
	_ =	sdelay $0x3  }
0x93: {  	_ =	strace s4  }
0x94: {  	s4 =	sld [smem:$0x3FFC];
	_ =	sdelay $0x3  }
0x95: {  	_ =	strace s4  }
0x96: {  	s4 =	sld [smem:$0x3FFD];
	_ =	sdelay $0x3  }
0x97: {  	_ =	strace s4  }
0x98: {  	_ =	strace $0x8FFFFFFF  }
0x99: {  	s19 =	sld [smem:$0x3FDB];
	_ =	sdelay $0x1  }
0x9a: {  	s5 =	simm.s32 $_scs_section_size  }
0x9b: {  	s6 =	simm.s32 $_size__tile_overlayer_lowered;
	s7 =	simm.s32 $_tile_overlayer_lowered  }
0x9c: {  	s22 =	simm.s32 $0x1BFF;
	s21 =	sshll.u32 s7, $0x1;
	s4 =	sadd.s32 s5, s19  }
0x9d: {  	s8 =	simm.s32 $0x0;
	s20 =	sshll.u32 s6, $0x1;
	s6 =	sadd.s32 s21, s4  }
0x9e: {  	[timem:s8], [sflag:s22] =	dma.local [hbm:s6], s20  }
0x9f: {  	_ =	swait.ge [sflag:s22], s20  }
0xa0: {  	s5 =	ssub.s32 $0x0, s20;
	[sflag:s22] =	ssyncset.done $0x0  }
0xa1: {  	[sflag:s22] =	ssyncadd.s32 s5;
	_ =	sdelay $0x1  }
0xa2: {  	s23 =	simm.s32 $0x1B8B  }
0xa3: {  	_ =	swait.ge [sflag:s23], $0x1  }
0xa4: {  	[sflag:s23] =	ssyncset.done $0x0  }
0xa5: {  	s25 =	simm.s32 $0x1B8E;
	s24 =	sld [smem:$0x3FFE];
	[sflag:s23] =	ssyncadd.s32 $0xFFFFFFFF  }
0xa6: {  	s26 =	simm.s32 $execute0_lowered;
	[smem:$0x3FD2] =	sst s25  }
0xa7: {  	s6 =	sshll.u32 s26, $0x1;
	_ =	strace $0x80000046;
	[dreg:$0x1] =	wrdreg $0xFFFFFFFF  }
0xa8: {  	s28 =	simm.s32 $_size_execute0_lowered;
	s4 =	sadd.s32 s4, s6;
	[dreg:$0x0] =	wrdreg $0x0  }
0xa9: {  	s6 =	sshll.u32 s28, $0x1;
	[dreg:$0x2] =	wrdreg s4  }
0xaa: {  	[dreg:$0x3] =	wrdreg s6  }
0xab: {  	[dreg:$0x4] =	wrdreg $0xC0  }
0xac: {  	_ =	task [dreg:s8], $0x5FFFF  }
0xad: {  	[dreg:$0x1] =	wrdreg $0xFFFFFFFF  }
0xae: {  	[dreg:$0x0] =	wrdreg $0x60  }
0xaf: {  	[dreg:$0x2] =	wrdreg s2  }
0xb0: {  	[dreg:$0x3] =	wrdreg s24  }
0xb1: {  	[dreg:$0x4] =	wrdreg s18  }
0xb2: {  	[dreg:$0x5] =	wrdreg $0xA4800  }
0xb3: {  	[dreg:$0x6] =	wrdreg $0x1E4800  }
0xb4: {  	[dreg:$0x7] =	wrdreg $0x9  }
0xb5: {  	_ =	task.clear_ibuf [dreg:s8], $0x8FFFF;
	_ =	strace $0x90000046  }
0xb6: {  	s29 =	simm.s32 $0x9;
	_ =	strace $0x80000048  }
0xb7: {  	_ =	swait.ge [sflag:s29], $0x1  }
0xb8: {  	[sflag:s29] =	ssyncadd.s32 $0xFFFFFFFF  }
0xb9: {  	_ =	strace $0x90000048  }
0xba: {  	_ =	sfence  }
0xbb: {  	s30 =	sld [smem:$0x0];
	_ =	sdelay $0x2  }
0xbc: {  	s31 =	sshll.u32 s1, $0xD;
	s1 =	sshrl.u32 s1, $0x2  }
0xbd: {  	s3 =	sand.u32 $0x4000, s31;
	s1 =	sadd.s32 s1, s30  }
0xbe: {  	s0 =	sor.u32 s3, s0;
	s1 =	sshll.u32 s1, $0x11  }
0xbf: {  	s0 =	sor.u32 s1, s0  }
0xc0: {  	s0 =	sadd.s32 $0x8F2B, s0  }
0xc1: {  	[sflag:s0] =	ssyncadd.remote.s32 $0x1  }
0xc2: {  	_ =	sfence.sel $0xFFFF  }
0xc3: {  	[dreg:$0x0] =	wrdreg $0xFFFFFFFF;
	(pc) =	sbr.abs _section_cstart, $3  }
0xc4: {  	[dreg:$0x1] =	wrdreg $0xFFFFFFFF  }
0xc5: {  	_ =	task.clear_ibuf [dreg:s8], $0x2FFFF;
	_ =	strace $0x9FFFFFFF  }
0xc6: {  	(tm) =	ssettm $0x7FFFFFFF  }
0xc7: {  	_ =	shalt  }
tec
execute0_lowered:
.L_overlay_start_1:
0x0: {  	(tag) =	ssettag $0x1  }
0x1: {  	s1 =	rddreg [dreg:$0x0]  }
0x2: {  	s0 =	rddreg [dreg:$0x1]  }
0x3: {  	s15 =	rddreg [dreg:$0x2]  }
0x4: {  	s3 =	rddreg [dreg:$0x3]  }
0x5: {  	s4 =	rddreg [dreg:$0x4];
	s5 =	simm.s32 $0x0;
	s2 =	srdreg.scid  }
0x6: {  	s16 =	stileid.u32;
	s28 =	simm.s32 $0xB;
	s29 =	simm.s32 $0x13  }
0x7: {  	s30 =	simm.s32 $0x4;
	s31 =	simm.s32 $0xC;
	[smem:$0x7FF] =	sst s5  }
0x8: {  	s22 =	sadd.s32 $0x800, s0;
	s2 =	sand.u32 $0x1, s2;
	s6 =	sadd.s32 $0xAA00, s0  }
0x9: {  	s7 =	sadd.s32 $0xA800, s0;
	s23 =	smul.u32 $0x14000, s16;
	s8 =	sshll.u32 s16, $0x1  }
0xa: {  	s24 =	smul.u32 $0x500, s16;
	_ =	strace $0x80000047;
	[dreg:$0xd] =	wrdreg s6  }
0xb: {  	s9 =	sadd.s32 $0xA600, s0;
	s26 =	smul.u32 $0x4E20, s16;
	[dreg:$0xe] =	wrdreg s7  }
0xc: {  	s21 =	smul.u32 $0x140000, s2;
	[dreg:$0xf] =	wrdreg s9;
	s8 =	sor.u32 s2, s8  }
0xd: {  	s25 =	sshll.u32 s2, $0x7;
	s10 =	ssub.s32 $0x2, s2;
	s2 =	smul.u32 $0x2710, s2  }
0xe: {  	[dreg:$0xc] =	wrdreg s22;
	s8 =	smul.u32 $0x2710, s8;
	s7 =	sor.u32 s25, s24  }
0xf: {  	s11 =	sshrl.u32 s10, $0x1;
	s6 =	sadd.s32 s23, s21;
	s7 =	sshrl.u32 s7, $0x3  }
0x10: {  	s2 =	sadd.s32 s2, s26;
	s6 =	sshrl.u32 s6, $0x3;
	s8 =	sshrl.u32 s8, $0x3  }
0x11: {  	s13 =	sadd.s32 $0x230, s2;
	s19 =	sadd.s32 $0x190, s2;
	s6 =	sadd.s32 s6, s0  }
0x12: {  	s0 =	sadd.s32 s7, s0;
	s7 =	ssub.s32 s10, s11;
	s12 =	sadd.s32 s22, s8  }
0x13: {  	s9 =	sadd.s32 $0xA, s8;
	s10 =	sshrl.u32 s13, $0x3;
	s13 =	sadd.s32 $0x1E0, s2  }
0x14: {  	s21 =	sshrl.u32 s19, $0x3;
	[dreg:$0x10] =	wrdreg s12;
	s11 =	sadd.s32 s22, s9  }
0x15: {  	s23 =	sadd.s32 $0x1E, s8;
	s14 =	sadd.s32 s10, s15;
	[dreg:$0x11] =	wrdreg s11  }
0x16: {  	s10 =	sadd.s32 s10, s22;
	s17 =	sshrl.u32 s13, $0x3;
	[dreg:$0x6] =	wrdreg s14  }
0x17: {  	s24 =	sadd.s32 s21, s15;
	s25 =	sadd.s32 s21, s22;
	[dreg:$0x7] =	wrdreg s10  }
0x18: {  	s26 =	sadd.s32 s22, s23;
	s9 =	sadd.s32 s15, s9;
	[dreg:$0xa] =	wrdreg s24  }
0x19: {  	s19 =	sadd.s32 s15, s23;
	s6 =	sadd.s32 $0xDC00, s6;
	[dreg:$0x13] =	wrdreg s26  }
0x1a: {  	s0 =	sadd.s32 $0xD200, s0;
	s13 =	simm.s32 $0x100;
	[dreg:$0xb] =	wrdreg s25  }
0x1b: {  	s11 =	sadd.s32 $0x14, s8;
	s18 =	sadd.s32 s17, s15;
	[dreg:$0x15] =	wrdreg s9  }
0x1c: {  	s20 =	sadd.s32 s17, s22;
	s14 =	smul.u32 $0x50000, s16;
	[dreg:$0x17] =	wrdreg s19  }
0x1d: {  	s16 =	smul.u32 $0xA00, s16;
	s17 =	sadd.s32 s15, s8;
	[dreg:$0x1c] =	wrdreg s6  }
0x1e: {  	s8 =	sadd.s32 $0x4D8, s8;
	[dreg:$0x1d] =	wrdreg s0;
	s25 =	smax.u32 s7, $0x1  }
0x1f: {  	s26 =	sadd.s32 $0x140, s2;
	s0 =	simm.s32 $0x50;
	[dreg:$0x8] =	wrdreg s18  }
0x20: {  	s2 =	simm.s32 $0xF;
	s7 =	simm.s32 $0x7;
	[dreg:$0x9] =	wrdreg s20  }
0x21: {  	s6 =	simm.s32 $0x10;
	s10 =	simm.s32 $0x0;
	[dreg:$0x14] =	wrdreg s17  }
0x22: {  	s12 =	sadd.s32 s22, s11;
	s18 =	sadd.s32 s15, s11;
	[dreg:$0x1e] =	wrdreg s25  }
0x23: {  	s24 =	sadd.s32 s22, s8;
	s8 =	sadd.s32 s15, s8;
	[dreg:$0x1f] =	wrdreg s26  }
0x24: {  	s17 =	simm.s32 $0x180;
	s25 =	simm.s32 $0x12;
	[dreg:$0x12] =	wrdreg s12  }
0x25: {  	s26 =	simm.s32 $0x3;
	s11 =	simm.s32 $0x14;
	[dreg:$0x16] =	wrdreg s18  }
0x26: {  	s20 =	sshrl.u32 s14, $0x2;
	s14 =	smov.u32 s15;
	[dreg:$0x1a] =	wrdreg s24  }
0x27: {  	s21 =	sshrl.u32 s16, $0x2;
	[dreg:$0x1b] =	wrdreg s8;
	s12 =	simm.s32 $0x15  }
0x28: {  	s16 =	simm.s32 $0x80;
	s15 =	simm.s32 $0xA400;
	s9 =	sadd.s32 s20, s3  }
0x29: {  	s24 =	simm.s32 $0x6;
	s23 =	sadd.s32 s21, s4;
	[dreg:$0x18] =	wrdreg s9  }
0x2a: {  	[dreg:$0x19] =	wrdreg s23;
	s23 =	simm.s32 $0xE;
	s9 =	simm.s32 $0x8  }
.LBB2_1:
0x2b: {  	[smem:$0x7FA] =	sst s10  }
0x2c: {  	s8 =	rddreg [dreg:$0x10]  }
0x2d: {  	[tilespmem:s5], [sflag:$0x15] =	stream.linear.gather [hbm4b:s8+s5], $0x50, $0x38;
	[tilespmem:$0x1E700] =	vst v63  }
0x2e: {  	_ =	swait.ge [sflag:s12], $0x50  }
0x2f: {  	[sflag:s12] =	ssyncset.done $0x0  }
0x30: {  	s10 =	rddreg [dreg:$0x11];
	[sflag:s12] =	ssyncadd.s32 $0xFFFFFFB0  }
0x31: {  	[tilespmem:s16], [sflag:$0x15] =	stream.linear.gather [hbm4b:s10+s5], $0x50, $0x38;
	[tilespmem:$0x1E700] =	vst v63  }
0x32: {  	_ =	swait.ge [sflag:s12], $0x50  }
0x33: {  	[sflag:s12] =	ssyncset.done $0x0  }
0x34: {  	s18 =	rddreg [dreg:$0x12];
	[sflag:s12] =	ssyncadd.s32 $0xFFFFFFB0  }
0x35: {  	[tilespmem:s13], [sflag:$0x15] =	stream.linear.gather [hbm4b:s18+s5], $0x50, $0x38;
	[tilespmem:$0x1E700] =	vst v63  }
0x36: {  	_ =	swait.ge [sflag:s12], $0x50  }
0x37: {  	[sflag:s12] =	ssyncset.done $0x0  }
0x38: {  	s19 =	rddreg [dreg:$0x13];
	[sflag:s12] =	ssyncadd.s32 $0xFFFFFFB0  }
0x39: {  	[tilespmem:s17], [sflag:$0x15] =	stream.linear.gather [hbm4b:s19+s5], $0x50, $0x38;
	[tilespmem:$0x1E700] =	vst v63  }
0x3a: {  	_ =	swait.ge [sflag:s12], $0x50  }
0x3b: {  	[sflag:s12] =	ssyncset.done $0x0  }
0x3c: {  	s18 =	simm.s32 $0x400;
	[sflag:s12] =	ssyncadd.s32 $0xFFFFFFB0  }
0x3d: {  	[tilespmem:s18], [sflag:$0x1] =	stream.indirect.gather [hbm4b:s1+s0], $0x80, s5, s0, $0xb8;
	[tilespmem:$0x1E700] =	vst v63  }
0x3e: {  	s19 =	simm.s32 $0x200;
	s20 =	rddreg [dreg:$0x14]  }
0x3f: {  	[tilespmem:s19], [sflag:$0x9] =	stream.linear.gather [hbm4b:s20+s5], $0x50, $0x38;
	[tilespmem:$0x1E700] =	vst v63  }
0x40: {  	s21 =	simm.s32 $0x2C00  }
0x41: {  	[tilespmem:s21], [sflag:$0x2] =	stream.indirect.gather [hbm4b:s1+s0], $0x80, s16, s0, $0xb8;
	[tilespmem:$0x1E700] =	vst v63  }
0x42: {  	s10 =	rddreg [dreg:$0x15];
	s20 =	simm.s32 $0x280  }
0x43: {  	[tilespmem:s20], [sflag:$0xA] =	stream.linear.gather [hbm4b:s10+s5], $0x50, $0x38;
	[tilespmem:$0x1E700] =	vst v63  }
0x44: {  	s21 =	simm.s32 $0x5400  }
0x45: {  	[tilespmem:s21], [sflag:$0x3] =	stream.indirect.gather [hbm4b:s1+s0], $0x80, s13, s0, $0xb8;
	[tilespmem:$0x1E700] =	vst v63  }
0x46: {  	s10 =	rddreg [dreg:$0x16];
	s21 =	simm.s32 $0x300  }
0x47: {  	[tilespmem:s21], [sflag:$0xB] =	stream.linear.gather [hbm4b:s10+s5], $0x50, $0x38;
	[tilespmem:$0x1E700] =	vst v63  }
0x48: {  	s21 =	simm.s32 $0x7C00  }
0x49: {  	[tilespmem:s21], [sflag:$0x4] =	stream.indirect.gather [hbm4b:s1+s0], $0x80, s17, s0, $0xb8;
	[tilespmem:$0x1E700] =	vst v63  }
0x4a: {  	s10 =	rddreg [dreg:$0x17];
	s21 =	simm.s32 $0x380  }
0x4b: {  	[tilespmem:s21], [sflag:$0xC] =	stream.linear.gather [hbm4b:s10+s5], $0x50, $0x38;
	[tilespmem:$0x1E700] =	vst v63  }
0x4c: {  	s10 =	stileid.u32  }
0x4d: {  	s21 =	rddreg [dreg:$0x18];
	s8 =	sshll.u32 s10, $0x6  }
0x4e: {  	s21 =	sshrl.u32 s21, $0x3;
	s10 =	sor.u32 $0x1C15, s8;
	s8 =	rddreg [dreg:$0xd]  }
0x4f: {  	[smem:$0x7FB] =	sst s21  }
0x50: {  	[spmem:s21], [sflag:s10] =	dma.local [hbm:s8], $0x2800  }
0x51: {  	_ =	swait.ge [sflag:s12], $0x2800  }
0x52: {  	s21 =	rddreg [dreg:$0x19]  }
0x53: {  	s8 =	rddreg [dreg:$0xe]  }
0x54: {  	[sflag:s12] =	ssyncset.done $0x0;
	[smem:$0x7FC] =	sst s10;
	s21 =	sshrl.u32 s21, $0x3  }
0x55: {  	[sflag:s12] =	ssyncadd.s32 $0xFFFFD800;
	[smem:$0x7FD] =	sst s21  }
0x56: {  	[spmem:s21], [sflag:s10] =	dma.local [hbm:s8], $0x50  }
0x57: {  	_ =	swait.ge [sflag:s12], $0x50  }
0x58: {  	[sflag:s12] =	ssyncset.done $0x0  }
0x59: {  	s10 =	rddreg [dreg:$0xf];
	[sflag:s12] =	ssyncadd.s32 $0xFFFFFFB0  }
0x5a: {  	[tilespmem:s15], [sflag:$0x15] =	stream.linear.gather [hbm4b:s10+s5], $0x80, $0x38;
	[tilespmem:$0x1E700] =	vst v63  }
0x5b: {  	_ =	swait.ge [sflag:s12], $0x80  }
0x5c: {  	[sflag:s12] =	ssyncset.done $0x0  }
0x5d: {  	[sflag:s12] =	ssyncadd.s32 $0xFFFFFF80  }
0x5e: {  	s21 =	simm.s32 $0x1;
	[bflag:$0x0] =	sbarrier.arrive $0xFFFF  }
0x5f: {  	_ =	swait.ge [sflag:s21], $0x2800  }
0x60: {  	s12 =	rddreg [dreg:$0x1f]  }
0x61: {  	[sflag:s21] =	ssyncset.done $0x0;
	s8 =	sshrl.u32 s12, $0x3  }
0x62: {  	[sflag:s21] =	ssyncadd.s32 $0xFFFFD800;
	s21 =	sadd.s32 s22, s8;
	s22 =	simm.s32 $0x9  }
0x63: {  	[tilespmem:s5], [sflag:$0x5] =	stream.linear.gather [hbm4b:s21+s5], $0x50, $0x38;
	[tilespmem:$0x1E700] =	vst v63  }
0x64: {  	_ =	swait.ge [sflag:s22], $0x50  }
0x65: {  	[sflag:s22] =	ssyncset.done $0x0  }
0x66: {  	[sflag:s22] =	ssyncadd.s32 $0xFFFFFFB0  }
0x67: {  	[spmem:s3] =	stream.indirect.scatter.add.f32 [tilespmem:s18], [sflag:$0xD], $0x80, s19, s0, $0xb8;
	[tilespmem:$0x1E700] =	vst v63  }
0x68: {  	s21 =	simm.s32 $0xD  }
0x69: {  	[spmem:s4] =	stream.indirect.scatter.add.f32 [tilespmem:s15], [sflag:$0x11], $0x1, s19, s0, $0xb8;
	[tilespmem:$0x1E700] =	vst v63  }
0x6a: {  	_ =	swait.ge [sflag:s21], $0x2800  }
0x6b: {  	[sflag:s21] =	ssyncset.done $0x0  }
0x6c: {  	s22 =	simm.s32 $0x5;
	[sflag:s21] =	ssyncadd.s32 $0xFFFFD800  }
0x6d: {  	_ =	swait.ge [sflag:s22], $0x50  }
0x6e: {  	[sflag:s22] =	ssyncset.done $0x0  }
0x6f: {  	[sflag:s22] =	ssyncadd.s32 $0xFFFFFFB0  }
0x70: {  	[tilespmem:s18], [sflag:$0x1] =	stream.indirect.gather [hbm4b:s1+s0], $0x80, s5, s0, $0xb8;
	[tilespmem:$0x1E700] =	vst v63  }
0x71: {  	s18 =	simm.s32 $0x11  }
0x72: {  	_ =	swait.ge [sflag:s18], $0x50  }
0x73: {  	[sflag:s18] =	ssyncset.done $0x0  }
0x74: {  	s8 =	sadd.s32 s14, s8;
	[sflag:s18] =	ssyncadd.s32 $0xFFFFFFB0  }
0x75: {  	[tilespmem:s19], [sflag:$0x9] =	stream.linear.gather [hbm4b:s8+s5], $0x50, $0x38;
	[tilespmem:$0x1E700] =	vst v63  }
0x76: {  	s19 =	simm.s32 $0x2  }
0x77: {  	_ =	swait.ge [sflag:s19], $0x2800  }
0x78: {  	s21 =	rddreg [dreg:$0xb];
	[sflag:s19] =	ssyncset.done $0x0  }
0x79: {  	s22 =	simm.s32 $0xA;
	[sflag:s19] =	ssyncadd.s32 $0xFFFFD800;
	s8 =	sadd.s32 $0x0, s21  }
0x7a: {  	[tilespmem:s16], [sflag:$0x6] =	stream.linear.gather [hbm4b:s8+s5], $0x50, $0x38;
	[tilespmem:$0x1E700] =	vst v63  }
0x7b: {  	_ =	swait.ge [sflag:s22], $0x50  }
0x7c: {  	[sflag:s22] =	ssyncset.done $0x0  }
0x7d: {  	s10 =	simm.s32 $0x2C00;
	[sflag:s22] =	ssyncadd.s32 $0xFFFFFFB0  }
0x7e: {  	[spmem:s3] =	stream.indirect.scatter.add.f32 [tilespmem:s10], [sflag:$0xE], $0x80, s20, s0, $0xb8;
	[tilespmem:$0x1E700] =	vst v63  }
0x7f: {  	_ = 	snop  }
0x80: {  	[spmem:s4] =	stream.indirect.scatter.add.f32 [tilespmem:s15], [sflag:$0x12], $0x1, s20, s0, $0xb8;
	[tilespmem:$0x1E700] =	vst v63  }
0x81: {  	_ =	swait.ge [sflag:s23], $0x2800  }
0x82: {  	[sflag:s23] =	ssyncset.done $0x0  }
0x83: {  	[sflag:s23] =	ssyncadd.s32 $0xFFFFD800  }
0x84: {  	_ =	swait.ge [sflag:s24], $0x50  }
0x85: {  	[sflag:s24] =	ssyncset.done $0x0  }
0x86: {  	[sflag:s24] =	ssyncadd.s32 $0xFFFFFFB0  }
0x87: {  	[tilespmem:s10], [sflag:$0x2] =	stream.indirect.gather [hbm4b:s1+s0], $0x80, s16, s0, $0xb8;
	[tilespmem:$0x1E700] =	vst v63  }
0x88: {  	_ =	swait.ge [sflag:s25], $0x50  }
0x89: {  	s18 =	rddreg [dreg:$0xa];
	[sflag:s25] =	ssyncset.done $0x0  }
0x8a: {  	[sflag:s25] =	ssyncadd.s32 $0xFFFFFFB0;
	s8 =	sadd.s32 $0x0, s18  }
0x8b: {  	[tilespmem:s20], [sflag:$0xA] =	stream.linear.gather [hbm4b:s8+s5], $0x50, $0x38;
	[tilespmem:$0x1E700] =	vst v63  }
0x8c: {  	_ =	swait.ge [sflag:s26], $0x2800  }
0x8d: {  	s19 =	rddreg [dreg:$0x9];
	[sflag:s26] =	ssyncset.done $0x0  }
0x8e: {  	[sflag:s26] =	ssyncadd.s32 $0xFFFFD800;
	s8 =	sadd.s32 $0x0, s19  }
0x8f: {  	[tilespmem:s13], [sflag:$0x7] =	stream.linear.gather [hbm4b:s8+s5], $0x50, $0x38;
	[tilespmem:$0x1E700] =	vst v63  }
0x90: {  	_ =	swait.ge [sflag:s28], $0x50  }
0x91: {  	[sflag:s28] =	ssyncset.done $0x0  }
0x92: {  	s21 =	simm.s32 $0x5400;
	s20 =	simm.s32 $0x300;
	[sflag:s28] =	ssyncadd.s32 $0xFFFFFFB0  }
0x93: {  	[spmem:s3] =	stream.indirect.scatter.add.f32 [tilespmem:s21], [sflag:$0xF], $0x80, s20, s0, $0xb8;
	[tilespmem:$0x1E700] =	vst v63  }
0x94: {  	_ = 	snop  }
0x95: {  	[spmem:s4] =	stream.indirect.scatter.add.f32 [tilespmem:s15], [sflag:$0x13], $0x1, s20, s0, $0xb8;
	[tilespmem:$0x1E700] =	vst v63  }
0x96: {  	_ =	swait.ge [sflag:s2], $0x2800  }
0x97: {  	[sflag:s2] =	ssyncset.done $0x0  }
0x98: {  	[sflag:s2] =	ssyncadd.s32 $0xFFFFD800  }
0x99: {  	_ =	swait.ge [sflag:s7], $0x50  }
0x9a: {  	[sflag:s7] =	ssyncset.done $0x0  }
0x9b: {  	[sflag:s7] =	ssyncadd.s32 $0xFFFFFFB0  }
0x9c: {  	[tilespmem:s21], [sflag:$0x3] =	stream.indirect.gather [hbm4b:s1+s0], $0x80, s13, s0, $0xb8;
	[tilespmem:$0x1E700] =	vst v63  }
0x9d: {  	_ =	swait.ge [sflag:s29], $0x50  }
0x9e: {  	s18 =	rddreg [dreg:$0x8];
	[sflag:s29] =	ssyncset.done $0x0  }
0x9f: {  	s22 =	simm.s32 $0x300;
	[sflag:s29] =	ssyncadd.s32 $0xFFFFFFB0;
	s8 =	sadd.s32 $0x0, s18  }
0xa0: {  	[tilespmem:s22], [sflag:$0xB] =	stream.linear.gather [hbm4b:s8+s5], $0x50, $0x38;
	[tilespmem:$0x1E700] =	vst v63  }
0xa1: {  	_ =	swait.ge [sflag:s30], $0x2800  }
0xa2: {  	s19 =	rddreg [dreg:$0x7];
	[sflag:s30] =	ssyncset.done $0x0  }
0xa3: {  	[sflag:s30] =	ssyncadd.s32 $0xFFFFD800;
	s8 =	sadd.s32 $0x0, s19  }
0xa4: {  	[tilespmem:s17], [sflag:$0x8] =	stream.linear.gather [hbm4b:s8+s5], $0x50, $0x38;
	[tilespmem:$0x1E700] =	vst v63  }
0xa5: {  	_ =	swait.ge [sflag:s31], $0x50  }
0xa6: {  	[sflag:s31] =	ssyncset.done $0x0  }
0xa7: {  	s20 =	simm.s32 $0x7C00;
	s21 =	simm.s32 $0x380;
	[sflag:s31] =	ssyncadd.s32 $0xFFFFFFB0  }
0xa8: {  	[spmem:s3] =	stream.indirect.scatter.add.f32 [tilespmem:s20], [sflag:$0x10], $0x80, s21, s0, $0xb8;
	[tilespmem:$0x1E700] =	vst v63  }
0xa9: {  	_ = 	snop  }
0xaa: {  	[spmem:s4] =	stream.indirect.scatter.add.f32 [tilespmem:s15], [sflag:$0x14], $0x1, s21, s0, $0xb8;
	[tilespmem:$0x1E700] =	vst v63  }
0xab: {  	_ =	swait.ge [sflag:s6], $0x2800  }
0xac: {  	[sflag:s6] =	ssyncset.done $0x0  }
0xad: {  	[sflag:s6] =	ssyncadd.s32 $0xFFFFD800  }
0xae: {  	_ =	swait.ge [sflag:s9], $0x50  }
0xaf: {  	[sflag:s9] =	ssyncset.done $0x0  }
0xb0: {  	[sflag:s9] =	ssyncadd.s32 $0xFFFFFFB0  }
0xb1: {  	[tilespmem:s20], [sflag:$0x4] =	stream.indirect.gather [hbm4b:s1+s0], $0x80, s17, s0, $0xb8;
	[tilespmem:$0x1E700] =	vst v63  }
0xb2: {  	s13 =	simm.s32 $0x28;
	s18 =	simm.s32 $0x180;
	_ =	swait.ge [sflag:s11], $0x50  }
0xb3: {  	s8 =	sadd.s32 $0x140, s12;
	s22 =	rddreg [dreg:$0x6];
	[sflag:s11] =	ssyncset.done $0x0  }
0xb4: {  	s17 =	simm.s32 $0x100;
	[sflag:s11] =	ssyncadd.s32 $0xFFFFFFB0;
	s10 =	sadd.s32 $0x0, s22  }
.LBB2_2:
0xb5: {  	s22 =	simm.s32 $0x380;
	s16 =	simm.s32 $0x1  }
0xb6: {  	[tilespmem:s22], [sflag:$0xC] =	stream.linear.gather [hbm4b:s10+s5], $0x50, $0x38;
	[tilespmem:$0x1E700] =	vst v63  }
0xb7: {  	_ =	swait.ge [sflag:s16], $0x2800  }
0xb8: {  	s12 =	sshrl.u32 s8, $0x3;
	[sflag:s16] =	ssyncset.done $0x0;
	s20 =	rddreg [dreg:$0xc]  }
0xb9: {  	s19 =	smov.u32 s14;
	[sflag:s16] =	ssyncadd.s32 $0xFFFFD800;
	s14 =	sadd.s32 s20, s12  }
0xba: {  	[tilespmem:s5], [sflag:$0x5] =	stream.linear.gather [hbm4b:s14+s5], $0x50, $0x38;
	[tilespmem:$0x1E700] =	vst v63  }
0xbb: {  	s14 =	smov.u32 s19;
	s19 =	simm.s32 $0x9  }
0xbc: {  	_ =	swait.ge [sflag:s19], $0x50  }
0xbd: {  	[sflag:s19] =	ssyncset.done $0x0  }
0xbe: {  	s20 =	simm.s32 $0x200;
	[sflag:s19] =	ssyncadd.s32 $0xFFFFFFB0;
	s19 =	simm.s32 $0x400  }
0xbf: {  	[spmem:s3] =	stream.indirect.scatter.add.f32 [tilespmem:s19], [sflag:$0xD], $0x80, s20, s0, $0xb8;
	[tilespmem:$0x1E700] =	vst v63  }
0xc0: {  	s21 =	simm.s32 $0xD  }
0xc1: {  	[spmem:s4] =	stream.indirect.scatter.add.f32 [tilespmem:s15], [sflag:$0x11], $0x1, s20, s0, $0xb8;
	[tilespmem:$0x1E700] =	vst v63  }
0xc2: {  	_ =	swait.ge [sflag:s21], $0x2800  }
0xc3: {  	[sflag:s21] =	ssyncset.done $0x0  }
0xc4: {  	[sflag:s21] =	ssyncadd.s32 $0xFFFFD800;
	s21 =	simm.s32 $0x5  }
0xc5: {  	_ =	swait.ge [sflag:s21], $0x50  }
0xc6: {  	[sflag:s21] =	ssyncset.done $0x0  }
0xc7: {  	[sflag:s21] =	ssyncadd.s32 $0xFFFFFFB0;
	s21 =	simm.s32 $0x11  }
0xc8: {  	[tilespmem:s19], [sflag:$0x1] =	stream.indirect.gather [hbm4b:s1+s0], $0x80, s5, s0, $0xb8;
	[tilespmem:$0x1E700] =	vst v63  }
0xc9: {  	_ =	swait.ge [sflag:s21], $0x50  }
0xca: {  	[sflag:s21] =	ssyncset.done $0x0  }
0xcb: {  	s12 =	sadd.s32 s14, s12;
	[sflag:s21] =	ssyncadd.s32 $0xFFFFFFB0  }
0xcc: {  	[tilespmem:s20], [sflag:$0x9] =	stream.linear.gather [hbm4b:s12+s5], $0x50, $0x38;
	[tilespmem:$0x1E700] =	vst v63  }
0xcd: {  	s20 =	simm.s32 $0x2  }
0xce: {  	s10 =	smov.u32 s13;
	_ =	swait.ge [sflag:s20], $0x2800  }
0xcf: {  	s16 =	simm.s32 $0x80;
	s21 =	rddreg [dreg:$0xb];
	[sflag:s20] =	ssyncset.done $0x0  }
0xd0: {  	[sflag:s20] =	ssyncadd.s32 $0xFFFFD800;
	s12 =	sadd.s32 s10, s21;
	s20 =	simm.s32 $0xA  }
0xd1: {  	[tilespmem:s16], [sflag:$0x6] =	stream.linear.gather [hbm4b:s12+s5], $0x50, $0x38;
	[tilespmem:$0x1E700] =	vst v63  }
0xd2: {  	_ =	swait.ge [sflag:s20], $0x50  }
0xd3: {  	[sflag:s20] =	ssyncset.done $0x0  }
0xd4: {  	s21 =	simm.s32 $0x2C00;
	[sflag:s20] =	ssyncadd.s32 $0xFFFFFFB0;
	s20 =	simm.s32 $0x280  }
0xd5: {  	[spmem:s3] =	stream.indirect.scatter.add.f32 [tilespmem:s21], [sflag:$0xE], $0x80, s20, s0, $0xb8;
	[tilespmem:$0x1E700] =	vst v63  }
0xd6: {  	_ = 	snop  }
0xd7: {  	[spmem:s4] =	stream.indirect.scatter.add.f32 [tilespmem:s15], [sflag:$0x12], $0x1, s20, s0, $0xb8;
	[tilespmem:$0x1E700] =	vst v63  }
0xd8: {  	_ =	swait.ge [sflag:s23], $0x2800  }
0xd9: {  	[sflag:s23] =	ssyncset.done $0x0  }
0xda: {  	[sflag:s23] =	ssyncadd.s32 $0xFFFFD800  }
0xdb: {  	_ =	swait.ge [sflag:s24], $0x50  }
0xdc: {  	[sflag:s24] =	ssyncset.done $0x0  }
0xdd: {  	[sflag:s24] =	ssyncadd.s32 $0xFFFFFFB0  }
0xde: {  	[tilespmem:s21], [sflag:$0x2] =	stream.indirect.gather [hbm4b:s1+s0], $0x80, s16, s0, $0xb8;
	[tilespmem:$0x1E700] =	vst v63  }
0xdf: {  	_ =	swait.ge [sflag:s25], $0x50  }
0xe0: {  	s21 =	rddreg [dreg:$0xa];
	[sflag:s25] =	ssyncset.done $0x0  }
0xe1: {  	[sflag:s25] =	ssyncadd.s32 $0xFFFFFFB0;
	s12 =	sadd.s32 s10, s21  }
0xe2: {  	[tilespmem:s20], [sflag:$0xA] =	stream.linear.gather [hbm4b:s12+s5], $0x50, $0x38;
	[tilespmem:$0x1E700] =	vst v63  }
0xe3: {  	_ =	swait.ge [sflag:s26], $0x2800  }
0xe4: {  	s20 =	rddreg [dreg:$0x9];
	[sflag:s26] =	ssyncset.done $0x0  }
0xe5: {  	[sflag:s26] =	ssyncadd.s32 $0xFFFFD800;
	s12 =	sadd.s32 s10, s20  }
0xe6: {  	[tilespmem:s17], [sflag:$0x7] =	stream.linear.gather [hbm4b:s12+s5], $0x50, $0x38;
	[tilespmem:$0x1E700] =	vst v63  }
0xe7: {  	_ =	swait.ge [sflag:s28], $0x50  }
0xe8: {  	[sflag:s28] =	ssyncset.done $0x0  }
0xe9: {  	s21 =	simm.s32 $0x300;
	s12 =	simm.s32 $0x5400;
	[sflag:s28] =	ssyncadd.s32 $0xFFFFFFB0  }
0xea: {  	[spmem:s3] =	stream.indirect.scatter.add.f32 [tilespmem:s12], [sflag:$0xF], $0x80, s21, s0, $0xb8;
	[tilespmem:$0x1E700] =	vst v63  }
0xeb: {  	_ = 	snop  }
0xec: {  	[spmem:s4] =	stream.indirect.scatter.add.f32 [tilespmem:s15], [sflag:$0x13], $0x1, s21, s0, $0xb8;
	[tilespmem:$0x1E700] =	vst v63  }
0xed: {  	_ =	swait.ge [sflag:s2], $0x2800  }
0xee: {  	[sflag:s2] =	ssyncset.done $0x0  }
0xef: {  	[sflag:s2] =	ssyncadd.s32 $0xFFFFD800  }
0xf0: {  	_ =	swait.ge [sflag:s7], $0x50  }
0xf1: {  	[sflag:s7] =	ssyncset.done $0x0  }
0xf2: {  	[sflag:s7] =	ssyncadd.s32 $0xFFFFFFB0  }
0xf3: {  	[tilespmem:s12], [sflag:$0x3] =	stream.indirect.gather [hbm4b:s1+s0], $0x80, s17, s0, $0xb8;
	[tilespmem:$0x1E700] =	vst v63  }
0xf4: {  	_ =	swait.ge [sflag:s29], $0x50  }
0xf5: {  	s12 =	rddreg [dreg:$0x8];
	[sflag:s29] =	ssyncset.done $0x0  }
0xf6: {  	[sflag:s29] =	ssyncadd.s32 $0xFFFFFFB0;
	s12 =	sadd.s32 s10, s12  }
0xf7: {  	[tilespmem:s21], [sflag:$0xB] =	stream.linear.gather [hbm4b:s12+s5], $0x50, $0x38;
	[tilespmem:$0x1E700] =	vst v63  }
0xf8: {  	_ =	swait.ge [sflag:s30], $0x2800  }
0xf9: {  	s21 =	rddreg [dreg:$0x7];
	[sflag:s30] =	ssyncset.done $0x0  }
0xfa: {  	[sflag:s30] =	ssyncadd.s32 $0xFFFFD800;
	s12 =	sadd.s32 s10, s21  }
0xfb: {  	[tilespmem:s18], [sflag:$0x8] =	stream.linear.gather [hbm4b:s12+s5], $0x50, $0x38;
	[tilespmem:$0x1E700] =	vst v63  }
0xfc: {  	_ =	swait.ge [sflag:s31], $0x50  }
0xfd: {  	[sflag:s31] =	ssyncset.done $0x0  }
0xfe: {  	s12 =	simm.s32 $0x7C00;
	[sflag:s31] =	ssyncadd.s32 $0xFFFFFFB0  }
0xff: {  	[spmem:s3] =	stream.indirect.scatter.add.f32 [tilespmem:s12], [sflag:$0x10], $0x80, s22, s0, $0xb8;
	[tilespmem:$0x1E700] =	vst v63  }
0x100: {  	_ = 	snop  }
0x101: {  	[spmem:s4] =	stream.indirect.scatter.add.f32 [tilespmem:s15], [sflag:$0x14], $0x1, s22, s0, $0xb8;
	[tilespmem:$0x1E700] =	vst v63  }
0x102: {  	_ =	swait.ge [sflag:s6], $0x2800  }
0x103: {  	[sflag:s6] =	ssyncset.done $0x0  }
0x104: {  	[sflag:s6] =	ssyncadd.s32 $0xFFFFD800  }
0x105: {  	_ =	swait.ge [sflag:s9], $0x50  }
0x106: {  	p0 =	sne.s32 s13, $0x488;
	[sflag:s9] =	ssyncset.done $0x0  }
.Ltmp0:
0x107: {  	s8 =	sadd.s32 $0x140, s8;
	[sflag:s9] =	ssyncadd.s32 $0xFFFFFFB0;
	(pc) =	sbr.rel @p0 .LBB2_2-.Ltmp0, $4  }
0x108: {  	[tilespmem:s12], [sflag:$0x4] =	stream.indirect.gather [hbm4b:s1+s0], $0x80, s18, s0, $0xb8;
	[tilespmem:$0x1E700] =	vst v63  }
0x109: {  	s13 =	sadd.s32 $0x28, s13;
	s19 =	simm.s32 $0x2C00;
	_ =	swait.ge [sflag:s11], $0x50  }
0x10a: {  	s20 =	simm.s32 $0x5400;
	[sflag:s11] =	ssyncset.done $0x0;
	s22 =	rddreg [dreg:$0x6]  }
0x10b: {  	s21 =	simm.s32 $0x7C00;
	[sflag:s11] =	ssyncadd.s32 $0xFFFFFFB0;
	s10 =	sadd.s32 s10, s22  }
0x10c: {  	s13 =	simm.s32 $0x380;
	s17 =	simm.s32 $0x1  }
0x10d: {  	[tilespmem:s13], [sflag:$0xC] =	stream.linear.gather [hbm4b:s10+s5], $0x50, $0x38;
	[tilespmem:$0x1E700] =	vst v63  }
0x10e: {  	_ =	swait.ge [sflag:s17], $0x2800  }
0x10f: {  	[sflag:s17] =	ssyncset.done $0x0  }
0x110: {  	s18 =	simm.s32 $0x9;
	s8 =	rddreg [dreg:$0x1a];
	[sflag:s17] =	ssyncadd.s32 $0xFFFFD800  }
0x111: {  	[tilespmem:s5], [sflag:$0x5] =	stream.linear.gather [hbm4b:s8+s5], $0x50, $0x38;
	[tilespmem:$0x1E700] =	vst v63  }
0x112: {  	_ =	swait.ge [sflag:s18], $0x50  }
0x113: {  	[sflag:s18] =	ssyncset.done $0x0  }
0x114: {  	s12 =	simm.s32 $0x200;
	s10 =	simm.s32 $0x400;
	[sflag:s18] =	ssyncadd.s32 $0xFFFFFFB0  }
0x115: {  	[spmem:s3] =	stream.indirect.scatter.add.f32 [tilespmem:s10], [sflag:$0xD], $0x80, s12, s0, $0xb8;
	[tilespmem:$0x1E700] =	vst v63  }
0x116: {  	s22 =	simm.s32 $0xD  }
0x117: {  	[spmem:s4] =	stream.indirect.scatter.add.f32 [tilespmem:s15], [sflag:$0x11], $0x1, s12, s0, $0xb8;
	[tilespmem:$0x1E700] =	vst v63  }
0x118: {  	_ =	swait.ge [sflag:s22], $0x2800  }
0x119: {  	[sflag:s22] =	ssyncset.done $0x0  }
0x11a: {  	s8 =	simm.s32 $0x5;
	[sflag:s22] =	ssyncadd.s32 $0xFFFFD800  }
0x11b: {  	_ =	swait.ge [sflag:s8], $0x50  }
0x11c: {  	[sflag:s8] =	ssyncset.done $0x0  }
0x11d: {  	[sflag:s8] =	ssyncadd.s32 $0xFFFFFFB0  }
0x11e: {  	[tilespmem:s10], [sflag:$0x1] =	stream.indirect.gather [hbm4b:s1+s0], $0x80, s5, s0, $0xb8;
	[tilespmem:$0x1E700] =	vst v63  }
0x11f: {  	s10 =	simm.s32 $0x11  }
0x120: {  	_ =	swait.ge [sflag:s10], $0x50  }
0x121: {  	[sflag:s10] =	ssyncset.done $0x0  }
0x122: {  	s8 =	rddreg [dreg:$0x1b];
	[sflag:s10] =	ssyncadd.s32 $0xFFFFFFB0  }
0x123: {  	[tilespmem:s12], [sflag:$0x9] =	stream.linear.gather [hbm4b:s8+s5], $0x50, $0x38;
	[tilespmem:$0x1E700] =	vst v63  }
0x124: {  	s8 =	simm.s32 $0x2  }
0x125: {  	_ =	swait.ge [sflag:s8], $0x2800  }
0x126: {  	[sflag:s8] =	ssyncset.done $0x0  }
0x127: {  	[sflag:s8] =	ssyncadd.s32 $0xFFFFD800;
	s8 =	simm.s32 $0xA  }
0x128: {  	_ =	swait.ge [sflag:s8], $0x50  }
0x129: {  	[sflag:s8] =	ssyncset.done $0x0  }
0x12a: {  	[sflag:s8] =	ssyncadd.s32 $0xFFFFFFB0;
	s8 =	simm.s32 $0x280  }
0x12b: {  	[spmem:s3] =	stream.indirect.scatter.add.f32 [tilespmem:s19], [sflag:$0xE], $0x80, s8, s0, $0xb8;
	[tilespmem:$0x1E700] =	vst v63  }
0x12c: {  	_ = 	snop  }
0x12d: {  	[spmem:s4] =	stream.indirect.scatter.add.f32 [tilespmem:s15], [sflag:$0x12], $0x1, s8, s0, $0xb8;
	[tilespmem:$0x1E700] =	vst v63  }
0x12e: {  	_ =	swait.ge [sflag:s23], $0x2800  }
0x12f: {  	[sflag:s23] =	ssyncset.done $0x0  }
0x130: {  	[sflag:s23] =	ssyncadd.s32 $0xFFFFD800  }
0x131: {  	_ =	swait.ge [sflag:s25], $0x50  }
0x132: {  	[sflag:s25] =	ssyncset.done $0x0  }
0x133: {  	[sflag:s25] =	ssyncadd.s32 $0xFFFFFFB0  }
0x134: {  	_ =	swait.ge [sflag:s26], $0x2800  }
0x135: {  	[sflag:s26] =	ssyncset.done $0x0  }
0x136: {  	[sflag:s26] =	ssyncadd.s32 $0xFFFFD800  }
0x137: {  	_ =	swait.ge [sflag:s28], $0x50  }
0x138: {  	[sflag:s28] =	ssyncset.done $0x0  }
0x139: {  	s19 =	simm.s32 $0x300;
	[sflag:s28] =	ssyncadd.s32 $0xFFFFFFB0  }
0x13a: {  	[spmem:s3] =	stream.indirect.scatter.add.f32 [tilespmem:s20], [sflag:$0xF], $0x80, s19, s0, $0xb8;
	[tilespmem:$0x1E700] =	vst v63  }
0x13b: {  	_ = 	snop  }
0x13c: {  	[spmem:s4] =	stream.indirect.scatter.add.f32 [tilespmem:s15], [sflag:$0x13], $0x1, s19, s0, $0xb8;
	[tilespmem:$0x1E700] =	vst v63  }
0x13d: {  	_ =	swait.ge [sflag:s2], $0x2800  }
0x13e: {  	[sflag:s2] =	ssyncset.done $0x0  }
0x13f: {  	[sflag:s2] =	ssyncadd.s32 $0xFFFFD800  }
0x140: {  	_ =	swait.ge [sflag:s29], $0x50  }
0x141: {  	[sflag:s29] =	ssyncset.done $0x0  }
0x142: {  	[sflag:s29] =	ssyncadd.s32 $0xFFFFFFB0  }
0x143: {  	_ =	swait.ge [sflag:s30], $0x2800  }
0x144: {  	[sflag:s30] =	ssyncset.done $0x0  }
0x145: {  	[sflag:s30] =	ssyncadd.s32 $0xFFFFD800  }
0x146: {  	_ =	swait.ge [sflag:s31], $0x50  }
0x147: {  	[sflag:s31] =	ssyncset.done $0x0  }
0x148: {  	[sflag:s31] =	ssyncadd.s32 $0xFFFFFFB0  }
0x149: {  	[spmem:s3] =	stream.indirect.scatter.add.f32 [tilespmem:s21], [sflag:$0x10], $0x80, s13, s0, $0xb8;
	[tilespmem:$0x1E700] =	vst v63  }
0x14a: {  	_ = 	snop  }
0x14b: {  	[spmem:s4] =	stream.indirect.scatter.add.f32 [tilespmem:s15], [sflag:$0x14], $0x1, s13, s0, $0xb8;
	[tilespmem:$0x1E700] =	vst v63  }
0x14c: {  	_ =	swait.ge [sflag:s6], $0x2800  }
0x14d: {  	[sflag:s6] =	ssyncset.done $0x0  }
0x14e: {  	[sflag:s6] =	ssyncadd.s32 $0xFFFFD800  }
0x14f: {  	_ =	swait.ge [sflag:s11], $0x50  }
0x150: {  	[sflag:s11] =	ssyncset.done $0x0  }
0x151: {  	[sflag:s11] =	ssyncadd.s32 $0xFFFFFFB0  }
0x152: {  	_ =	swait.ge [sflag:s17], $0x2800  }
0x153: {  	[sflag:s17] =	ssyncset.done $0x0  }
0x154: {  	[sflag:s17] =	ssyncadd.s32 $0xFFFFD800  }
0x155: {  	_ =	swait.ge [sflag:s18], $0x50  }
0x156: {  	[sflag:s18] =	ssyncset.done $0x0  }
0x157: {  	s20 =	simm.s32 $0x400;
	[sflag:s18] =	ssyncadd.s32 $0xFFFFFFB0  }
0x158: {  	[spmem:s3] =	stream.indirect.scatter.add.f32 [tilespmem:s20], [sflag:$0xD], $0x80, s12, s0, $0xb8;
	[tilespmem:$0x1E700] =	vst v63  }
0x159: {  	_ = 	snop  }
0x15a: {  	[spmem:s4] =	stream.indirect.scatter.add.f32 [tilespmem:s15], [sflag:$0x11], $0x1, s12, s0, $0xb8;
	[tilespmem:$0x1E700] =	vst v63  }
0x15b: {  	_ =	swait.ge [sflag:s22], $0x2800  }
0x15c: {  	[sflag:s22] =	ssyncset.done $0x0  }
0x15d: {  	[sflag:s22] =	ssyncadd.s32 $0xFFFFD800  }
0x15e: {  	_ =	swait.ge [sflag:s10], $0x50  }
0x15f: {  	[sflag:s10] =	ssyncset.done $0x0  }
0x160: {  	[sflag:s10] =	ssyncadd.s32 $0xFFFFFFB0  }
0x161: {  	[bflag:$0x0] =	sbarrier.arrive $0xFFFF  }
0x162: {  	s22 =	sld [smem:$0x7FC]  }
0x163: {  	s12 =	sld [smem:$0x7FB];
	_ =	sdelay $0x1  }
0x164: {  	s21 =	rddreg [dreg:$0x1c]  }
0x165: {  	[hbm:s21], [sflag:s22] =	dma.local [spmem:s12], $0x2800  }
0x166: {  	s12 =	simm.s32 $0x15  }
0x167: {  	_ =	swait.ge [sflag:s12], $0x2800  }
0x168: {  	s20 =	sld [smem:$0x7FD]  }
0x169: {  	[sflag:s12] =	ssyncset.done $0x0  }
0x16a: {  	s19 =	simm.s32 $0x20;
	s18 =	rddreg [dreg:$0x1d];
	[sflag:s12] =	ssyncadd.s32 $0xFFFFD800  }
0x16b: {  	[hbm:s18@s19], [sflag:s22] =	dma.strided [spmem:s20@s6], $0x50, s17, $0x10   }
0x16c: {  	_ =	swait.ge [sflag:s12], $0x50  }
0x16d: {  	s21 =	sld [smem:$0x7FA];
	_ =	sdelay $0x2  }
0x16e: {  	s22 =	rddreg [dreg:$0x1e];
	s10 =	sadd.s32 $0x1, s21  }
0x16f: {  	p0 =	sne.s32 s10, s22  }
.Ltmp1:
0x170: {  	_ = 	snop;
	(pc) =	sbr.rel @p0 .LBB2_1-.Ltmp1, $3  }
0x171: {  	_ =	sdelay $0x1  }
0x172: {  	s13 =	simm.s32 $0x100;
	[sflag:s12] =	ssyncset.done $0x0  }
0x173: {  	s17 =	simm.s32 $0x180;
	[sflag:s12] =	ssyncadd.s32 $0xFFFFFFB0;
	s22 =	rddreg [dreg:$0xc]  }
0x174: {  	_ =	sfence.sel $0x180000  }
0x175: {  	[bflag:$0x0] =	sbarrier.arrive $0xFFFF  }
0x176: {  	_ =	strace $0x90000047  }
0x177: {  	s0 =	stileid.u32;
	[bflag:$0x2] =	sbarrier.arrive $0xFFFF  }
0x178: {  	p0 =	sne.s32 s0, $0x0;
	s0 =	rddreg [dreg:$0x5]  }
0x179: {  	s0 =	sadd.s32 @!p0 $0x100000, s0  }
0x17a: {  	[sflag:s0] =	ssyncadd.tile.s32 @!p0 $0x1;
	_ =	shalt  }
.Lfunc_end2:
_tile_overlayer_lowered:
.L_overlay_start_2:
0x17b: {  	(tag) =	ssettag $0x2  }
0x17c: {  	s0 =	rddreg [dreg:$0x0];
	s2 =	stileid.u32  }
0x17d: {  	s1 =	rddreg [dreg:$0x1];
	p0 =	sne.s32 s2, $0x0  }
0x17e: {  	s3 =	rddreg [dreg:$0x2];
	[bflag:$0x3] =	sbarrier.arrive $0xFFFF;
	s2 =	simm.s32 @!p0 $0x1C15  }
0x17f: {  	[timem:s3], [sflag:s2] =	dma.local @!p0 [hbm:s0], s1  }
0x180: {  	s0 =	simm.s32 @!p0 $0x15  }
0x181: {  	_ =	swait.ge @!p0 [sflag:s0], s1  }
0x182: {  	s1 =	ssub.s32 @!p0 $0x0, s1;
	[sflag:s0] =	ssyncset.done @!p0 $0x0  }
0x183: {  	[sflag:s0] =	ssyncadd.s32 @!p0 s1  }
0x184: {  	[bflag:$0x3] =	sbarrier.arrive $0xFFFF  }
0x185: {  	_ =	shalt  }

</sc_bundles>
